<compile_context>
chip_gen: v7x
topology: tpu7x:2x2x1
jax: 0.10.2.dev20260603
libtpu: 0.0.44.dev20260713+nightly
codegen_flags: <defaults>
</compile_context>

<pallas_src>
import functools

import jax
import jax.numpy as jnp
from jax import lax
from jax.experimental import pallas as pl
from jax.experimental.pallas import tpu as pltpu
from jax.experimental.pallas import tpu_sc as plsc

QK = 96
NWIN = 1024
HALF = NWIN // 2
K = 4
SCALE = QK ** (-0.5)
NW = 32


def _half_top4(x, col):
    vals, idxs = [], []
    for j in range(K):
        m = jnp.max(x, axis=-1, keepdims=True)
        am = jnp.min(jnp.where(x == m, col, float(NWIN)),
                     axis=-1, keepdims=True)
        vals.append(m)
        idxs.append(am)
        if j < K - 1:
            x = jnp.where(col == am, -jnp.inf, x)
    return vals, idxs


def _tc_body(g_ref, wq_ref, bq_ref, wk_ref, bk_ref, cv_ref, ci_ref):
    g = g_ref[0]
    q = lax.dot_general(g, wq_ref[...], (((1,), (1,)), ((), ())),
                        preferred_element_type=jnp.float32) + bq_ref[0]
    k = lax.dot_general(g, wk_ref[...], (((1,), (1,)), ((), ())),
                        preferred_element_type=jnp.float32) + bk_ref[0]
    attn = lax.dot_general(q * SCALE, k, (((1,), (1,)), ((), ())),
                           preferred_element_type=jnp.float32)
    col = lax.broadcasted_iota(
        jnp.int32, (NWIN, HALF), 1).astype(jnp.float32)
    v1, i1 = _half_top4(attn[:, :HALF], col)
    v2, i2 = _half_top4(attn[:, HALF:], col + float(HALF))
    cv_ref[0] = jnp.concatenate(v1 + v2, axis=-1)
    ci_ref[0] = jnp.concatenate(i1 + i2, axis=-1).astype(jnp.int32)


def _tc_candidates(g_win, Wq, bq, Wk, bk):
    B = g_win.shape[0]
    grid_spec = pl.GridSpec(
        grid=(B,),
        in_specs=[
            pl.BlockSpec((1, NWIN, QK), lambda b: (b, 0, 0)),
            pl.BlockSpec((QK, QK), lambda b: (0, 0)),
            pl.BlockSpec((1, QK), lambda b: (0, 0)),
            pl.BlockSpec((QK, QK), lambda b: (0, 0)),
            pl.BlockSpec((1, QK), lambda b: (0, 0)),
        ],
        out_specs=[
            pl.BlockSpec((1, NWIN, 2 * K), lambda b: (b, 0, 0)),
            pl.BlockSpec((1, NWIN, 2 * K), lambda b: (b, 0, 0)),
        ],
    )
    return pl.pallas_call(
        _tc_body,
        grid_spec=grid_spec,
        out_shape=[
            jax.ShapeDtypeStruct((B, NWIN, 2 * K), jnp.float32),
            jax.ShapeDtypeStruct((B, NWIN, 2 * K), jnp.int32),
        ],
    )(g_win, Wq, bq.reshape(1, QK), Wk, bk.reshape(1, QK))


def _take16(x, idx):
    dnums = lax.GatherDimensionNumbers(
        offset_dims=(), collapsed_slice_dims=(0,), start_index_map=(0,))
    return lax.gather(x, idx[:, None], dnums, slice_sizes=(1,),
                      mode=lax.GatherScatterMode.PROMISE_IN_BOUNDS)


def _sort8_desc(v, i, lanes):
    l7 = lanes & 7
    for d in (7, 2, 1):
        p = (lanes & ~7) | (l7 ^ d)
        pv = _take16(v, p)
        pi = _take16(i, p)
        take = (v > pv) | ((v == pv) & (i < pi))
        inv = lanes > p
        keep = take != inv
        v = jnp.where(keep, v, pv)
        i = jnp.where(keep, i, pi)
    return v, i


def _softmax8(v, lanes):
    m = _take16(v, lanes & 8)
    e = jnp.exp(v - m)
    s = e + _take16(e, lanes ^ 1)
    s = s + _take16(s, lanes ^ 2)
    return e / s


def _sc_merge(cv2d, ci2d):
    mesh = plsc.VectorSubcoreMesh(core_axis_name="c", subcore_axis_name="s")
    info = plsc.get_sparse_core_info()
    nc = info.num_cores
    n_in = cv2d.shape[1]
    n_out = n_in // 2

    @functools.partial(
        pl.kernel,
        mesh=mesh,
        out_type=[
            jax.ShapeDtypeStruct((NW, n_out), jnp.float32),
            jax.ShapeDtypeStruct((NW, n_out), jnp.int32),
        ],
        scratch_types=[
            pltpu.VMEM((n_in,), jnp.float32),
            pltpu.VMEM((n_in,), jnp.int32),
            pltpu.VMEM((n_out,), jnp.float32),
            pltpu.VMEM((n_out,), jnp.int32),
        ],
    )
    def sc_kernel(cv_hbm, ci_hbm, w_hbm, ix_hbm, vbuf, ibuf, wbuf, obuf):
        w = lax.axis_index("s") * nc + lax.axis_index("c")
        pltpu.sync_copy(cv_hbm.at[w], vbuf)
        pltpu.sync_copy(ci_hbm.at[w], ibuf)
        lanes = lax.iota(jnp.int32, 16)
        pk = (lanes & 3) + ((lanes & 4) << 1)
        low8 = lanes < 8

        def body(t, _):
            base = t * 128
            out_w = []
            out_i = []
            for hv in range(0, 128, 16):
                v = vbuf[pl.ds(base + hv, 16)]
                i = ibuf[pl.ds(base + hv, 16)]
                v, i = _sort8_desc(v, i, lanes)
                sw = _softmax8(v, lanes)
                out_w.append(_take16(sw, pk))
                out_i.append(_take16(i, pk))
            for g in range(4):
                wbuf[pl.ds(t * 64 + g * 16, 16)] = jnp.where(
                    low8, out_w[2 * g], out_w[2 * g + 1])
                obuf[pl.ds(t * 64 + g * 16, 16)] = jnp.where(
                    low8, out_i[2 * g], out_i[2 * g + 1])
            return 0

        lax.fori_loop(0, n_in // 128, body, 0)
        pltpu.sync_copy(wbuf, w_hbm.at[w])
        pltpu.sync_copy(obuf, ix_hbm.at[w])

    return sc_kernel(cv2d, ci2d)


@jax.jit
def kernel(g_win, Wq, bq, Wk, bk):
    B = g_win.shape[0]
    cv, ci = _tc_candidates(g_win, Wq, bq, Wk, bk)
    w2d, i2d = _sc_merge(cv.reshape(NW, B * NWIN * 2 * K // NW),
                         ci.reshape(NW, B * NWIN * 2 * K // NW))
    return (w2d.reshape(B, NWIN, K), i2d.reshape(B, NWIN, K))

# --- scband reference (transcript-rebuilt; emitter-appended) ---
"""Pipeline reference for scband-topk-routing-16569983828344 (READ-ONLY COPY).

The authoritative reference and input builder live on the scoring server;
editing this copy changes nothing except your own understanding.
"""

import jax, jax.numpy as jnp
import numpy as np

QK_DIM = 96
TOPK = 4
B = 32
NWIN = 1024


def setup_inputs(seed: int = 0) -> dict:
    key = jax.random.key(seed)
    k1, k2, k3, k4, k5 = jax.random.split(key, 5)
    g_win = jax.random.normal(k1, (B, NWIN, QK_DIM), dtype=jnp.float32)
    # nn.Linear(qk_dim, qk_dim) params: weight [out, in], bias [out]
    Wq = jax.random.normal(k2, (QK_DIM, QK_DIM), dtype=jnp.float32) * 0.02
    bq = jnp.zeros((QK_DIM,), dtype=jnp.float32)
    Wk = jax.random.normal(k3, (QK_DIM, QK_DIM), dtype=jnp.float32) * 0.02
    bk = jnp.zeros((QK_DIM,), dtype=jnp.float32)
    return {"g_win": g_win, "Wq": Wq, "bq": bq, "Wk": Wk, "bk": bk}


def reference(g_win, Wq, bq, Wk, bk):
    scale = QK_DIM ** (-0.5)
    # emb_q / emb_k linear layers
    query_hat = g_win @ Wq.T + bq
    key_hat = g_win @ Wk.T + bk
    # scaled affinity: [B, n_win, n_win]
    attn_logit = (query_hat * scale) @ jnp.swapaxes(key_hat, -2, -1)
    # top-k along last dim
    topk_attn_logit, topk_index = jax.lax.top_k(attn_logit, TOPK)
    r_weight = jax.nn.softmax(topk_attn_logit, axis=-1)
    return (r_weight, topk_index)

if __name__ == "__main__":
    import jax
    _d = setup_inputs()
    print(jax.jit(kernel)(*tuple(_d.values())))

</pallas_src>

<mosaic_0001>
#map = affine_map<(d0, d1) -> (0, 0)>
module attributes {stable_mosaic.version = 14 : i64} {
  func.func @sc_kernel(%arg0: i32, %arg1: i32, %arg2: memref<32x8192xf32, #tpu.memory_space<hbm>>, %arg3: memref<32x8192xi32, #tpu.memory_space<hbm>>, %arg4: memref<32x4096xf32, #tpu.memory_space<hbm>>, %arg5: memref<32x4096xi32, #tpu.memory_space<hbm>>, %arg6: memref<8192xf32, #tpu.memory_space<vmem>>, %arg7: memref<8192xi32, #tpu.memory_space<vmem>>, %arg8: memref<4096xf32, #tpu.memory_space<vmem>>, %arg9: memref<4096xi32, #tpu.memory_space<vmem>>) attributes {dimension_semantics = [#tpu.dimension_semantics<core_parallel>, #tpu.dimension_semantics<subcore_parallel>], iteration_bounds = array<i64: 2, 16>, scalar_prefetch = 0 : i64, scratch_operands = 4 : i64, tpu.core_type = #tpu.core_type<sc_vector_subcore>, window_params = [{transform_indices = #map}, {transform_indices = #map}, {transform_indices = #map}, {transform_indices = #map}]} {
    %mul3A = arith.constant 2 : i32
    %mul3A_0 = arith.muli %arg1, %mul3A : i32
    %add3A = arith.addi %mul3A_0, %arg0 : i32
    "tpu.region"() ({
      %run_scoped3A = tpu.sem_alloc : memref<!tpu.dma_semaphore, #tpu.memory_space<semaphore_mem>>
      %dma_start3A = arith.constant 0 : i32
      %dma_start3A_17 = tpu.memref_slice %arg2[%add3A, %dma_start3A] : memref<32x8192xf32, #tpu.memory_space<hbm>> -> memref<1x8192xf32, #tpu.memory_space<hbm>>
      %dma_start3A_18 = tpu.memref_squeeze %dma_start3A_17 : memref<1x8192xf32, #tpu.memory_space<hbm>> -> memref<8192xf32, #tpu.memory_space<hbm>>
      %dma_start3A_19 = arith.constant 0 : i32
      %dma_start3A_20 = tpu.memref_slice %arg2[%add3A, %dma_start3A_19] : memref<32x8192xf32, #tpu.memory_space<hbm>> -> memref<1x8192xf32, #tpu.memory_space<hbm>>
      %dma_start3A_21 = tpu.memref_squeeze %dma_start3A_20 : memref<1x8192xf32, #tpu.memory_space<hbm>> -> memref<8192xf32, #tpu.memory_space<hbm>>
      tpu.enqueue_dma source(%dma_start3A_21 : memref<8192xf32, #tpu.memory_space<hbm>>) target(%arg6 : memref<8192xf32, #tpu.memory_space<vmem>>) target_semaphore(%run_scoped3A : memref<!tpu.dma_semaphore, #tpu.memory_space<semaphore_mem>>)
      %dma_wait3A = arith.constant 0 : i32
      %dma_wait3A_22 = tpu.memref_slice %arg2[%add3A, %dma_wait3A] : memref<32x8192xf32, #tpu.memory_space<hbm>> -> memref<1x8192xf32, #tpu.memory_space<hbm>>
      %dma_wait3A_23 = tpu.memref_squeeze %dma_wait3A_22 : memref<1x8192xf32, #tpu.memory_space<hbm>> -> memref<8192xf32, #tpu.memory_space<hbm>>
      %dma_wait3A_24 = arith.constant 0 : i32
      %dma_wait3A_25 = tpu.memref_slice %arg2[%add3A, %dma_wait3A_24] : memref<32x8192xf32, #tpu.memory_space<hbm>> -> memref<1x8192xf32, #tpu.memory_space<hbm>>
      %dma_wait3A_26 = tpu.memref_squeeze %dma_wait3A_25 : memref<1x8192xf32, #tpu.memory_space<hbm>> -> memref<8192xf32, #tpu.memory_space<hbm>>
      tpu.wait_dma2 semaphore(%run_scoped3A : memref<!tpu.dma_semaphore, #tpu.memory_space<semaphore_mem>>) src(%dma_wait3A_26 : memref<8192xf32, #tpu.memory_space<hbm>>) dst(%arg6 : memref<8192xf32, #tpu.memory_space<vmem>>)
      tpu.yield
    }) : () -> ()
    "tpu.region"() ({
      %run_scoped3A = tpu.sem_alloc : memref<!tpu.dma_semaphore, #tpu.memory_space<semaphore_mem>>
      %dma_start3A = arith.constant 0 : i32
      %dma_start3A_17 = tpu.memref_slice %arg3[%add3A, %dma_start3A] : memref<32x8192xi32, #tpu.memory_space<hbm>> -> memref<1x8192xi32, #tpu.memory_space<hbm>>
      %dma_start3A_18 = tpu.memref_squeeze %dma_start3A_17 : memref<1x8192xi32, #tpu.memory_space<hbm>> -> memref<8192xi32, #tpu.memory_space<hbm>>
      %dma_start3A_19 = arith.constant 0 : i32
      %dma_start3A_20 = tpu.memref_slice %arg3[%add3A, %dma_start3A_19] : memref<32x8192xi32, #tpu.memory_space<hbm>> -> memref<1x8192xi32, #tpu.memory_space<hbm>>
      %dma_start3A_21 = tpu.memref_squeeze %dma_start3A_20 : memref<1x8192xi32, #tpu.memory_space<hbm>> -> memref<8192xi32, #tpu.memory_space<hbm>>
      tpu.enqueue_dma source(%dma_start3A_21 : memref<8192xi32, #tpu.memory_space<hbm>>) target(%arg7 : memref<8192xi32, #tpu.memory_space<vmem>>) target_semaphore(%run_scoped3A : memref<!tpu.dma_semaphore, #tpu.memory_space<semaphore_mem>>)
      %dma_wait3A = arith.constant 0 : i32
      %dma_wait3A_22 = tpu.memref_slice %arg3[%add3A, %dma_wait3A] : memref<32x8192xi32, #tpu.memory_space<hbm>> -> memref<1x8192xi32, #tpu.memory_space<hbm>>
      %dma_wait3A_23 = tpu.memref_squeeze %dma_wait3A_22 : memref<1x8192xi32, #tpu.memory_space<hbm>> -> memref<8192xi32, #tpu.memory_space<hbm>>
      %dma_wait3A_24 = arith.constant 0 : i32
      %dma_wait3A_25 = tpu.memref_slice %arg3[%add3A, %dma_wait3A_24] : memref<32x8192xi32, #tpu.memory_space<hbm>> -> memref<1x8192xi32, #tpu.memory_space<hbm>>
      %dma_wait3A_26 = tpu.memref_squeeze %dma_wait3A_25 : memref<1x8192xi32, #tpu.memory_space<hbm>> -> memref<8192xi32, #tpu.memory_space<hbm>>
      tpu.wait_dma2 semaphore(%run_scoped3A : memref<!tpu.dma_semaphore, #tpu.memory_space<semaphore_mem>>) src(%dma_wait3A_26 : memref<8192xi32, #tpu.memory_space<hbm>>) dst(%arg7 : memref<8192xi32, #tpu.memory_space<vmem>>)
      tpu.yield
    }) : () -> ()
    %iota3A = tpu.iota {dimensions = array<i32: 0>} : vector<16xi32>
    %and3A = arith.constant 3 : i32
    %and3A_1 = vector.broadcast %and3A : i32 to vector<16xi32>
    %and3A_2 = arith.andi %iota3A, %and3A_1 : vector<16xi32>
    %and3A_3 = arith.constant 4 : i32
    %and3A_4 = vector.broadcast %and3A_3 : i32 to vector<16xi32>
    %and3A_5 = arith.andi %iota3A, %and3A_4 : vector<16xi32>
    %shift_left3A = arith.constant 1 : i32
    %shift_left3A_6 = vector.broadcast %shift_left3A : i32 to vector<16xi32>
    %shift_left3A_7 = arith.shli %and3A_5, %shift_left3A_6 : vector<16xi32>
    %add3A_8 = arith.addi %and3A_2, %shift_left3A_7 : vector<16xi32>
    %lt3A = arith.constant 8 : i32
    %lt3A_9 = vector.broadcast %lt3A : i32 to vector<16xi32>
    %lt3A_10 = arith.cmpi slt, %iota3A, %lt3A_9 : vector<16xi32>
    %scan3A = arith.constant 0 : i32
    %scan3A_11 = arith.constant 0 : i32
    %scan3A_12 = arith.constant 64 : i32
    %scan3A_13 = arith.addi %scan3A_11, %scan3A_12 : i32
    %scan3A_14 = arith.constant 1 : i32
    %scan3A_15 = scf.for %scan3A_17 = %scan3A_11 to %scan3A_13 step %scan3A_14 iter_args(%scan3A_18 = %scan3A) -> (i32)  : i32 {
      %mul3A_19 = arith.constant 128 : i32
      %mul3A_20 = arith.muli %scan3A_17, %mul3A_19 : i32
      %add3A_21 = arith.constant 0 : i32
      %add3A_22 = arith.addi %mul3A_20, %add3A_21 : i32
      %get3A = arith.index_cast %add3A_22 : i32 to index
      %get3A_23 = tpu.vector_load %arg6[%get3A] {strides = array<i32>} : memref<8192xf32, #tpu.memory_space<vmem>>, vector<16xf32>,
      %get3A_24 = vector.shape_cast %get3A_23 : vector<16xf32> to vector<16xf32>
      %add3A_25 = arith.constant 0 : i32
      %add3A_26 = arith.addi %mul3A_20, %add3A_25 : i32
      %get3A_27 = arith.index_cast %add3A_26 : i32 to index
      %get3A_28 = tpu.vector_load %arg7[%get3A_27] {strides = array<i32>} : memref<8192xi32, #tpu.memory_space<vmem>>, vector<16xi32>,
      %get3A_29 = vector.shape_cast %get3A_28 : vector<16xi32> to vector<16xi32>
      %and3A_30 = arith.constant 7 : i32
      %and3A_31 = vector.broadcast %and3A_30 : i32 to vector<16xi32>
      %and3A_32 = arith.andi %iota3A, %and3A_31 : vector<16xi32>
      %and3A_33 = arith.constant -8 : i32
      %and3A_34 = vector.broadcast %and3A_33 : i32 to vector<16xi32>
      %and3A_35 = arith.andi %iota3A, %and3A_34 : vector<16xi32>
      %xor3A = arith.constant 7 : i32
      %xor3A_36 = vector.broadcast %xor3A : i32 to vector<16xi32>
      %xor3A_37 = arith.xori %and3A_32, %xor3A_36 : vector<16xi32>
      %or3A = arith.ori %and3A_35, %xor3A_37 : vector<16xi32>
      %broadcast_in_dim3A = vector.shape_cast %or3A : vector<16xi32> to vector<16x1xi32>
      %gather3A = vector.shape_cast %broadcast_in_dim3A : vector<16x1xi32> to vector<16xi32>
      %gather3A_38 = tpu.dynamic_gather %get3A_24[%gather3A] in [0] : vector<16xf32>, vector<16xi32> -> vector<16xf32>
      %broadcast_in_dim3A_39 = vector.shape_cast %or3A : vector<16xi32> to vector<16x1xi32>
      %gather3A_40 = vector.shape_cast %broadcast_in_dim3A_39 : vector<16x1xi32> to vector<16xi32>
      %gather3A_41 = tpu.dynamic_gather %get3A_29[%gather3A_40] in [0] : vector<16xi32>, vector<16xi32> -> vector<16xi32>
      %gt3A = arith.cmpf ogt, %get3A_24, %gather3A_38 : vector<16xf32>
      %eq3A = arith.cmpf oeq, %get3A_24, %gather3A_38 : vector<16xf32>
      %lt3A_42 = arith.cmpi slt, %get3A_29, %gather3A_41 : vector<16xi32>
      %and3A_43 = arith.andi %eq3A, %lt3A_42 : vector<16xi1>
      %or3A_44 = arith.ori %gt3A, %and3A_43 : vector<16xi1>
      %gt3A_45 = arith.cmpi sgt, %iota3A, %or3A : vector<16xi32>
      %ne3A = arith.xori %or3A_44, %gt3A_45 : vector<16xi1>
      %select_n3A = arith.select %ne3A, %get3A_24, %gather3A_38 : vector<16xi1>, vector<16xf32>
      %select_n3A_46 = arith.select %ne3A, %get3A_29, %gather3A_41 : vector<16xi1>, vector<16xi32>
      %and3A_47 = arith.constant -8 : i32
      %and3A_48 = vector.broadcast %and3A_47 : i32 to vector<16xi32>
      %and3A_49 = arith.andi %iota3A, %and3A_48 : vector<16xi32>
      %xor3A_50 = arith.constant 2 : i32
      %xor3A_51 = vector.broadcast %xor3A_50 : i32 to vector<16xi32>
      %xor3A_52 = arith.xori %and3A_32, %xor3A_51 : vector<16xi32>
      %or3A_53 = arith.ori %and3A_49, %xor3A_52 : vector<16xi32>
      %broadcast_in_dim3A_54 = vector.shape_cast %or3A_53 : vector<16xi32> to vector<16x1xi32>
      %gather3A_55 = vector.shape_cast %broadcast_in_dim3A_54 : vector<16x1xi32> to vector<16xi32>
      %gather3A_56 = tpu.dynamic_gather %select_n3A[%gather3A_55] in [0] : vector<16xf32>, vector<16xi32> -> vector<16xf32>
      %broadcast_in_dim3A_57 = vector.shape_cast %or3A_53 : vector<16xi32> to vector<16x1xi32>
      %gather3A_58 = vector.shape_cast %broadcast_in_dim3A_57 : vector<16x1xi32> to vector<16xi32>
      %gather3A_59 = tpu.dynamic_gather %select_n3A_46[%gather3A_58] in [0] : vector<16xi32>, vector<16xi32> -> vector<16xi32>
      %gt3A_60 = arith.cmpf ogt, %select_n3A, %gather3A_56 : vector<16xf32>
      %eq3A_61 = arith.cmpf oeq, %select_n3A, %gather3A_56 : vector<16xf32>
      %lt3A_62 = arith.cmpi slt, %select_n3A_46, %gather3A_59 : vector<16xi32>
      %and3A_63 = arith.andi %eq3A_61, %lt3A_62 : vector<16xi1>
      %or3A_64 = arith.ori %gt3A_60, %and3A_63 : vector<16xi1>
      %gt3A_65 = arith.cmpi sgt, %iota3A, %or3A_53 : vector<16xi32>
      %ne3A_66 = arith.xori %or3A_64, %gt3A_65 : vector<16xi1>
      %select_n3A_67 = arith.select %ne3A_66, %select_n3A, %gather3A_56 : vector<16xi1>, vector<16xf32>
      %select_n3A_68 = arith.select %ne3A_66, %select_n3A_46, %gather3A_59 : vector<16xi1>, vector<16xi32>
      %and3A_69 = arith.constant -8 : i32
      %and3A_70 = vector.broadcast %and3A_69 : i32 to vector<16xi32>
      %and3A_71 = arith.andi %iota3A, %and3A_70 : vector<16xi32>
      %xor3A_72 = arith.constant 1 : i32
      %xor3A_73 = vector.broadcast %xor3A_72 : i32 to vector<16xi32>
      %xor3A_74 = arith.xori %and3A_32, %xor3A_73 : vector<16xi32>
      %or3A_75 = arith.ori %and3A_71, %xor3A_74 : vector<16xi32>
      %broadcast_in_dim3A_76 = vector.shape_cast %or3A_75 : vector<16xi32> to vector<16x1xi32>
      %gather3A_77 = vector.shape_cast %broadcast_in_dim3A_76 : vector<16x1xi32> to vector<16xi32>
      %gather3A_78 = tpu.dynamic_gather %select_n3A_67[%gather3A_77] in [0] : vector<16xf32>, vector<16xi32> -> vector<16xf32>
      %broadcast_in_dim3A_79 = vector.shape_cast %or3A_75 : vector<16xi32> to vector<16x1xi32>
      %gather3A_80 = vector.shape_cast %broadcast_in_dim3A_79 : vector<16x1xi32> to vector<16xi32>
      %gather3A_81 = tpu.dynamic_gather %select_n3A_68[%gather3A_80] in [0] : vector<16xi32>, vector<16xi32> -> vector<16xi32>
      %gt3A_82 = arith.cmpf ogt, %select_n3A_67, %gather3A_78 : vector<16xf32>
      %eq3A_83 = arith.cmpf oeq, %select_n3A_67, %gather3A_78 : vector<16xf32>
      %lt3A_84 = arith.cmpi slt, %select_n3A_68, %gather3A_81 : vector<16xi32>
      %and3A_85 = arith.andi %eq3A_83, %lt3A_84 : vector<16xi1>
      %or3A_86 = arith.ori %gt3A_82, %and3A_85 : vector<16xi1>
      %gt3A_87 = arith.cmpi sgt, %iota3A, %or3A_75 : vector<16xi32>
      %ne3A_88 = arith.xori %or3A_86, %gt3A_87 : vector<16xi1>
      %select_n3A_89 = arith.select %ne3A_88, %select_n3A_67, %gather3A_78 : vector<16xi1>, vector<16xf32>
      %select_n3A_90 = arith.select %ne3A_88, %select_n3A_68, %gather3A_81 : vector<16xi1>, vector<16xi32>
      %and3A_91 = arith.constant 8 : i32
      %and3A_92 = vector.broadcast %and3A_91 : i32 to vector<16xi32>
      %and3A_93 = arith.andi %iota3A, %and3A_92 : vector<16xi32>
      %broadcast_in_dim3A_94 = vector.shape_cast %and3A_93 : vector<16xi32> to vector<16x1xi32>
      %gather3A_95 = vector.shape_cast %broadcast_in_dim3A_94 : vector<16x1xi32> to vector<16xi32>
      %gather3A_96 = tpu.dynamic_gather %select_n3A_89[%gather3A_95] in [0] : vector<16xf32>, vector<16xi32> -> vector<16xf32>
      %sub3A = arith.subf %select_n3A_89, %gather3A_96 : vector<16xf32>
      %exp3A = math.exp %sub3A : vector<16xf32>
      %xor3A_97 = arith.constant 1 : i32
      %xor3A_98 = vector.broadcast %xor3A_97 : i32 to vector<16xi32>
      %xor3A_99 = arith.xori %iota3A, %xor3A_98 : vector<16xi32>
      %broadcast_in_dim3A_100 = vector.shape_cast %xor3A_99 : vector<16xi32> to vector<16x1xi32>
      %gather3A_101 = vector.shape_cast %broadcast_in_dim3A_100 : vector<16x1xi32> to vector<16xi32>
      %gather3A_102 = tpu.dynamic_gather %exp3A[%gather3A_101] in [0] : vector<16xf32>, vector<16xi32> -> vector<16xf32>
      %add3A_103 = arith.addf %exp3A, %gather3A_102 : vector<16xf32>
      %xor3A_104 = arith.constant 2 : i32
      %xor3A_105 = vector.broadcast %xor3A_104 : i32 to vector<16xi32>
      %xor3A_106 = arith.xori %iota3A, %xor3A_105 : vector<16xi32>
      %broadcast_in_dim3A_107 = vector.shape_cast %xor3A_106 : vector<16xi32> to vector<16x1xi32>
      %gather3A_108 = vector.shape_cast %broadcast_in_dim3A_107 : vector<16x1xi32> to vector<16xi32>
      %gather3A_109 = tpu.dynamic_gather %add3A_103[%gather3A_108] in [0] : vector<16xf32>, vector<16xi32> -> vector<16xf32>
      %add3A_110 = arith.addf %add3A_103, %gather3A_109 : vector<16xf32>
      %div3A = arith.divf %exp3A, %add3A_110 : vector<16xf32>
      %broadcast_in_dim3A_111 = vector.shape_cast %add3A_8 : vector<16xi32> to vector<16x1xi32>
      %gather3A_112 = vector.shape_cast %broadcast_in_dim3A_111 : vector<16x1xi32> to vector<16xi32>
      %gather3A_113 = tpu.dynamic_gather %div3A[%gather3A_112] in [0] : vector<16xf32>, vector<16xi32> -> vector<16xf32>
      %broadcast_in_dim3A_114 = vector.shape_cast %add3A_8 : vector<16xi32> to vector<16x1xi32>
      %gather3A_115 = vector.shape_cast %broadcast_in_dim3A_114 : vector<16x1xi32> to vector<16xi32>
      %gather3A_116 = tpu.dynamic_gather %select_n3A_90[%gather3A_115] in [0] : vector<16xi32>, vector<16xi32> -> vector<16xi32>
      %add3A_117 = arith.constant 16 : i32
      %add3A_118 = arith.addi %mul3A_20, %add3A_117 : i32
      %get3A_119 = arith.index_cast %add3A_118 : i32 to index
      %get3A_120 = tpu.vector_load %arg6[%get3A_119] {strides = array<i32>} : memref<8192xf32, #tpu.memory_space<vmem>>, vector<16xf32>,
      %get3A_121 = vector.shape_cast %get3A_120 : vector<16xf32> to vector<16xf32>
      %add3A_122 = arith.constant 16 : i32
      %add3A_123 = arith.addi %mul3A_20, %add3A_122 : i32
      %get3A_124 = arith.index_cast %add3A_123 : i32 to index
      %get3A_125 = tpu.vector_load %arg7[%get3A_124] {strides = array<i32>} : memref<8192xi32, #tpu.memory_space<vmem>>, vector<16xi32>,
      %get3A_126 = vector.shape_cast %get3A_125 : vector<16xi32> to vector<16xi32>
      %and3A_127 = arith.constant 7 : i32
      %and3A_128 = vector.broadcast %and3A_127 : i32 to vector<16xi32>
      %and3A_129 = arith.andi %iota3A, %and3A_128 : vector<16xi32>
      %and3A_130 = arith.constant -8 : i32
      %and3A_131 = vector.broadcast %and3A_130 : i32 to vector<16xi32>
      %and3A_132 = arith.andi %iota3A, %and3A_131 : vector<16xi32>
      %xor3A_133 = arith.constant 7 : i32
      %xor3A_134 = vector.broadcast %xor3A_133 : i32 to vector<16xi32>
      %xor3A_135 = arith.xori %and3A_129, %xor3A_134 : vector<16xi32>
      %or3A_136 = arith.ori %and3A_132, %xor3A_135 : vector<16xi32>
      %broadcast_in_dim3A_137 = vector.shape_cast %or3A_136 : vector<16xi32> to vector<16x1xi32>
      %gather3A_138 = vector.shape_cast %broadcast_in_dim3A_137 : vector<16x1xi32> to vector<16xi32>
      %gather3A_139 = tpu.dynamic_gather %get3A_121[%gather3A_138] in [0] : vector<16xf32>, vector<16xi32> -> vector<16xf32>
      %broadcast_in_dim3A_140 = vector.shape_cast %or3A_136 : vector<16xi32> to vector<16x1xi32>
      %gather3A_141 = vector.shape_cast %broadcast_in_dim3A_140 : vector<16x1xi32> to vector<16xi32>
      %gather3A_142 = tpu.dynamic_gather %get3A_126[%gather3A_141] in [0] : vector<16xi32>, vector<16xi32> -> vector<16xi32>
      %gt3A_143 = arith.cmpf ogt, %get3A_121, %gather3A_139 : vector<16xf32>
      %eq3A_144 = arith.cmpf oeq, %get3A_121, %gather3A_139 : vector<16xf32>
      %lt3A_145 = arith.cmpi slt, %get3A_126, %gather3A_142 : vector<16xi32>
      %and3A_146 = arith.andi %eq3A_144, %lt3A_145 : vector<16xi1>
      %or3A_147 = arith.ori %gt3A_143, %and3A_146 : vector<16xi1>
      %gt3A_148 = arith.cmpi sgt, %iota3A, %or3A_136 : vector<16xi32>
      %ne3A_149 = arith.xori %or3A_147, %gt3A_148 : vector<16xi1>
      %select_n3A_150 = arith.select %ne3A_149, %get3A_121, %gather3A_139 : vector<16xi1>, vector<16xf32>
      %select_n3A_151 = arith.select %ne3A_149, %get3A_126, %gather3A_142 : vector<16xi1>, vector<16xi32>
      %and3A_152 = arith.constant -8 : i32
      %and3A_153 = vector.broadcast %and3A_152 : i32 to vector<16xi32>
      %and3A_154 = arith.andi %iota3A, %and3A_153 : vector<16xi32>
      %xor3A_155 = arith.constant 2 : i32
      %xor3A_156 = vector.broadcast %xor3A_155 : i32 to vector<16xi32>
      %xor3A_157 = arith.xori %and3A_129, %xor3A_156 : vector<16xi32>
      %or3A_158 = arith.ori %and3A_154, %xor3A_157 : vector<16xi32>
      %broadcast_in_dim3A_159 = vector.shape_cast %or3A_158 : vector<16xi32> to vector<16x1xi32>
      %gather3A_160 = vector.shape_cast %broadcast_in_dim3A_159 : vector<16x1xi32> to vector<16xi32>
      %gather3A_161 = tpu.dynamic_gather %select_n3A_150[%gather3A_160] in [0] : vector<16xf32>, vector<16xi32> -> vector<16xf32>
      %broadcast_in_dim3A_162 = vector.shape_cast %or3A_158 : vector<16xi32> to vector<16x1xi32>
      %gather3A_163 = vector.shape_cast %broadcast_in_dim3A_162 : vector<16x1xi32> to vector<16xi32>
      %gather3A_164 = tpu.dynamic_gather %select_n3A_151[%gather3A_163] in [0] : vector<16xi32>, vector<16xi32> -> vector<16xi32>
      %gt3A_165 = arith.cmpf ogt, %select_n3A_150, %gather3A_161 : vector<16xf32>
      %eq3A_166 = arith.cmpf oeq, %select_n3A_150, %gather3A_161 : vector<16xf32>
      %lt3A_167 = arith.cmpi slt, %select_n3A_151, %gather3A_164 : vector<16xi32>
      %and3A_168 = arith.andi %eq3A_166, %lt3A_167 : vector<16xi1>
      %or3A_169 = arith.ori %gt3A_165, %and3A_168 : vector<16xi1>
      %gt3A_170 = arith.cmpi sgt, %iota3A, %or3A_158 : vector<16xi32>
      %ne3A_171 = arith.xori %or3A_169, %gt3A_170 : vector<16xi1>
      %select_n3A_172 = arith.select %ne3A_171, %select_n3A_150, %gather3A_161 : vector<16xi1>, vector<16xf32>
      %select_n3A_173 = arith.select %ne3A_171, %select_n3A_151, %gather3A_164 : vector<16xi1>, vector<16xi32>
      %and3A_174 = arith.constant -8 : i32
      %and3A_175 = vector.broadcast %and3A_174 : i32 to vector<16xi32>
      %and3A_176 = arith.andi %iota3A, %and3A_175 : vector<16xi32>
      %xor3A_177 = arith.constant 1 : i32
      %xor3A_178 = vector.broadcast %xor3A_177 : i32 to vector<16xi32>
      %xor3A_179 = arith.xori %and3A_129, %xor3A_178 : vector<16xi32>
      %or3A_180 = arith.ori %and3A_176, %xor3A_179 : vector<16xi32>
      %broadcast_in_dim3A_181 = vector.shape_cast %or3A_180 : vector<16xi32> to vector<16x1xi32>
      %gather3A_182 = vector.shape_cast %broadcast_in_dim3A_181 : vector<16x1xi32> to vector<16xi32>
      %gather3A_183 = tpu.dynamic_gather %select_n3A_172[%gather3A_182] in [0] : vector<16xf32>, vector<16xi32> -> vector<16xf32>
      %broadcast_in_dim3A_184 = vector.shape_cast %or3A_180 : vector<16xi32> to vector<16x1xi32>
      %gather3A_185 = vector.shape_cast %broadcast_in_dim3A_184 : vector<16x1xi32> to vector<16xi32>
      %gather3A_186 = tpu.dynamic_gather %select_n3A_173[%gather3A_185] in [0] : vector<16xi32>, vector<16xi32> -> vector<16xi32>
      %gt3A_187 = arith.cmpf ogt, %select_n3A_172, %gather3A_183 : vector<16xf32>
      %eq3A_188 = arith.cmpf oeq, %select_n3A_172, %gather3A_183 : vector<16xf32>
      %lt3A_189 = arith.cmpi slt, %select_n3A_173, %gather3A_186 : vector<16xi32>
      %and3A_190 = arith.andi %eq3A_188, %lt3A_189 : vector<16xi1>
      %or3A_191 = arith.ori %gt3A_187, %and3A_190 : vector<16xi1>
      %gt3A_192 = arith.cmpi sgt, %iota3A, %or3A_180 : vector<16xi32>
      %ne3A_193 = arith.xori %or3A_191, %gt3A_192 : vector<16xi1>
      %select_n3A_194 = arith.select %ne3A_193, %select_n3A_172, %gather3A_183 : vector<16xi1>, vector<16xf32>
      %select_n3A_195 = arith.select %ne3A_193, %select_n3A_173, %gather3A_186 : vector<16xi1>, vector<16xi32>
      %and3A_196 = arith.constant 8 : i32
      %and3A_197 = vector.broadcast %and3A_196 : i32 to vector<16xi32>
      %and3A_198 = arith.andi %iota3A, %and3A_197 : vector<16xi32>
      %broadcast_in_dim3A_199 = vector.shape_cast %and3A_198 : vector<16xi32> to vector<16x1xi32>
      %gather3A_200 = vector.shape_cast %broadcast_in_dim3A_199 : vector<16x1xi32> to vector<16xi32>
      %gather3A_201 = tpu.dynamic_gather %select_n3A_194[%gather3A_200] in [0] : vector<16xf32>, vector<16xi32> -> vector<16xf32>
      %sub3A_202 = arith.subf %select_n3A_194, %gather3A_201 : vector<16xf32>
      %exp3A_203 = math.exp %sub3A_202 : vector<16xf32>
      %xor3A_204 = arith.constant 1 : i32
      %xor3A_205 = vector.broadcast %xor3A_204 : i32 to vector<16xi32>
      %xor3A_206 = arith.xori %iota3A, %xor3A_205 : vector<16xi32>
      %broadcast_in_dim3A_207 = vector.shape_cast %xor3A_206 : vector<16xi32> to vector<16x1xi32>
      %gather3A_208 = vector.shape_cast %broadcast_in_dim3A_207 : vector<16x1xi32> to vector<16xi32>
      %gather3A_209 = tpu.dynamic_gather %exp3A_203[%gather3A_208] in [0] : vector<16xf32>, vector<16xi32> -> vector<16xf32>
      %add3A_210 = arith.addf %exp3A_203, %gather3A_209 : vector<16xf32>
      %xor3A_211 = arith.constant 2 : i32
      %xor3A_212 = vector.broadcast %xor3A_211 : i32 to vector<16xi32>
      %xor3A_213 = arith.xori %iota3A, %xor3A_212 : vector<16xi32>
      %broadcast_in_dim3A_214 = vector.shape_cast %xor3A_213 : vector<16xi32> to vector<16x1xi32>
      %gather3A_215 = vector.shape_cast %broadcast_in_dim3A_214 : vector<16x1xi32> to vector<16xi32>
      %gather3A_216 = tpu.dynamic_gather %add3A_210[%gather3A_215] in [0] : vector<16xf32>, vector<16xi32> -> vector<16xf32>
      %add3A_217 = arith.addf %add3A_210, %gather3A_216 : vector<16xf32>
      %div3A_218 = arith.divf %exp3A_203, %add3A_217 : vector<16xf32>
      %broadcast_in_dim3A_219 = vector.shape_cast %add3A_8 : vector<16xi32> to vector<16x1xi32>
      %gather3A_220 = vector.shape_cast %broadcast_in_dim3A_219 : vector<16x1xi32> to vector<16xi32>
      %gather3A_221 = tpu.dynamic_gather %div3A_218[%gather3A_220] in [0] : vector<16xf32>, vector<16xi32> -> vector<16xf32>
      %broadcast_in_dim3A_222 = vector.shape_cast %add3A_8 : vector<16xi32> to vector<16x1xi32>
      %gather3A_223 = vector.shape_cast %broadcast_in_dim3A_222 : vector<16x1xi32> to vector<16xi32>
      %gather3A_224 = tpu.dynamic_gather %select_n3A_195[%gather3A_223] in [0] : vector<16xi32>, vector<16xi32> -> vector<16xi32>
      %add3A_225 = arith.constant 32 : i32
      %add3A_226 = arith.addi %mul3A_20, %add3A_225 : i32
      %get3A_227 = arith.index_cast %add3A_226 : i32 to index
      %get3A_228 = tpu.vector_load %arg6[%get3A_227] {strides = array<i32>} : memref<8192xf32, #tpu.memory_space<vmem>>, vector<16xf32>,
      %get3A_229 = vector.shape_cast %get3A_228 : vector<16xf32> to vector<16xf32>
      %add3A_230 = arith.constant 32 : i32
      %add3A_231 = arith.addi %mul3A_20, %add3A_230 : i32
      %get3A_232 = arith.index_cast %add3A_231 : i32 to index
      %get3A_233 = tpu.vector_load %arg7[%get3A_232] {strides = array<i32>} : memref<8192xi32, #tpu.memory_space<vmem>>, vector<16xi32>,
      %get3A_234 = vector.shape_cast %get3A_233 : vector<16xi32> to vector<16xi32>
      %and3A_235 = arith.constant 7 : i32
      %and3A_236 = vector.broadcast %and3A_235 : i32 to vector<16xi32>
      %and3A_237 = arith.andi %iota3A, %and3A_236 : vector<16xi32>
      %and3A_238 = arith.constant -8 : i32
      %and3A_239 = vector.broadcast %and3A_238 : i32 to vector<16xi32>
      %and3A_240 = arith.andi %iota3A, %and3A_239 : vector<16xi32>
      %xor3A_241 = arith.constant 7 : i32
      %xor3A_242 = vector.broadcast %xor3A_241 : i32 to vector<16xi32>
      %xor3A_243 = arith.xori %and3A_237, %xor3A_242 : vector<16xi32>
      %or3A_244 = arith.ori %and3A_240, %xor3A_243 : vector<16xi32>
      %broadcast_in_dim3A_245 = vector.shape_cast %or3A_244 : vector<16xi32> to vector<16x1xi32>
      %gather3A_246 = vector.shape_cast %broadcast_in_dim3A_245 : vector<16x1xi32> to vector<16xi32>
      %gather3A_247 = tpu.dynamic_gather %get3A_229[%gather3A_246] in [0] : vector<16xf32>, vector<16xi32> -> vector<16xf32>
      %broadcast_in_dim3A_248 = vector.shape_cast %or3A_244 : vector<16xi32> to vector<16x1xi32>
      %gather3A_249 = vector.shape_cast %broadcast_in_dim3A_248 : vector<16x1xi32> to vector<16xi32>
      %gather3A_250 = tpu.dynamic_gather %get3A_234[%gather3A_249] in [0] : vector<16xi32>, vector<16xi32> -> vector<16xi32>
      %gt3A_251 = arith.cmpf ogt, %get3A_229, %gather3A_247 : vector<16xf32>
      %eq3A_252 = arith.cmpf oeq, %get3A_229, %gather3A_247 : vector<16xf32>
      %lt3A_253 = arith.cmpi slt, %get3A_234, %gather3A_250 : vector<16xi32>
      %and3A_254 = arith.andi %eq3A_252, %lt3A_253 : vector<16xi1>
      %or3A_255 = arith.ori %gt3A_251, %and3A_254 : vector<16xi1>
      %gt3A_256 = arith.cmpi sgt, %iota3A, %or3A_244 : vector<16xi32>
      %ne3A_257 = arith.xori %or3A_255, %gt3A_256 : vector<16xi1>
      %select_n3A_258 = arith.select %ne3A_257, %get3A_229, %gather3A_247 : vector<16xi1>, vector<16xf32>
      %select_n3A_259 = arith.select %ne3A_257, %get3A_234, %gather3A_250 : vector<16xi1>, vector<16xi32>
      %and3A_260 = arith.constant -8 : i32
      %and3A_261 = vector.broadcast %and3A_260 : i32 to vector<16xi32>
      %and3A_262 = arith.andi %iota3A, %and3A_261 : vector<16xi32>
      %xor3A_263 = arith.constant 2 : i32
      %xor3A_264 = vector.broadcast %xor3A_263 : i32 to vector<16xi32>
      %xor3A_265 = arith.xori %and3A_237, %xor3A_264 : vector<16xi32>
      %or3A_266 = arith.ori %and3A_262, %xor3A_265 : vector<16xi32>
      %broadcast_in_dim3A_267 = vector.shape_cast %or3A_266 : vector<16xi32> to vector<16x1xi32>
      %gather3A_268 = vector.shape_cast %broadcast_in_dim3A_267 : vector<16x1xi32> to vector<16xi32>
      %gather3A_269 = tpu.dynamic_gather %select_n3A_258[%gather3A_268] in [0] : vector<16xf32>, vector<16xi32> -> vector<16xf32>
      %broadcast_in_dim3A_270 = vector.shape_cast %or3A_266 : vector<16xi32> to vector<16x1xi32>
      %gather3A_271 = vector.shape_cast %broadcast_in_dim3A_270 : vector<16x1xi32> to vector<16xi32>
      %gather3A_272 = tpu.dynamic_gather %select_n3A_259[%gather3A_271] in [0] : vector<16xi32>, vector<16xi32> -> vector<16xi32>
      %gt3A_273 = arith.cmpf ogt, %select_n3A_258, %gather3A_269 : vector<16xf32>
      %eq3A_274 = arith.cmpf oeq, %select_n3A_258, %gather3A_269 : vector<16xf32>
      %lt3A_275 = arith.cmpi slt, %select_n3A_259, %gather3A_272 : vector<16xi32>
      %and3A_276 = arith.andi %eq3A_274, %lt3A_275 : vector<16xi1>
      %or3A_277 = arith.ori %gt3A_273, %and3A_276 : vector<16xi1>
      %gt3A_278 = arith.cmpi sgt, %iota3A, %or3A_266 : vector<16xi32>
      %ne3A_279 = arith.xori %or3A_277, %gt3A_278 : vector<16xi1>
      %select_n3A_280 = arith.select %ne3A_279, %select_n3A_258, %gather3A_269 : vector<16xi1>, vector<16xf32>
      %select_n3A_281 = arith.select %ne3A_279, %select_n3A_259, %gather3A_272 : vector<16xi1>, vector<16xi32>
      %and3A_282 = arith.constant -8 : i32
      %and3A_283 = vector.broadcast %and3A_282 : i32 to vector<16xi32>
      %and3A_284 = arith.andi %iota3A, %and3A_283 : vector<16xi32>
      %xor3A_285 = arith.constant 1 : i32
      %xor3A_286 = vector.broadcast %xor3A_285 : i32 to vector<16xi32>
      %xor3A_287 = arith.xori %and3A_237, %xor3A_286 : vector<16xi32>
      %or3A_288 = arith.ori %and3A_284, %xor3A_287 : vector<16xi32>
      %broadcast_in_dim3A_289 = vector.shape_cast %or3A_288 : vector<16xi32> to vector<16x1xi32>
      %gather3A_290 = vector.shape_cast %broadcast_in_dim3A_289 : vector<16x1xi32> to vector<16xi32>
      %gather3A_291 = tpu.dynamic_gather %select_n3A_280[%gather3A_290] in [0] : vector<16xf32>, vector<16xi32> -> vector<16xf32>
      %broadcast_in_dim3A_292 = vector.shape_cast %or3A_288 : vector<16xi32> to vector<16x1xi32>
      %gather3A_293 = vector.shape_cast %broadcast_in_dim3A_292 : vector<16x1xi32> to vector<16xi32>
      %gather3A_294 = tpu.dynamic_gather %select_n3A_281[%gather3A_293] in [0] : vector<16xi32>, vector<16xi32> -> vector<16xi32>
      %gt3A_295 = arith.cmpf ogt, %select_n3A_280, %gather3A_291 : vector<16xf32>
      %eq3A_296 = arith.cmpf oeq, %select_n3A_280, %gather3A_291 : vector<16xf32>
      %lt3A_297 = arith.cmpi slt, %select_n3A_281, %gather3A_294 : vector<16xi32>
      %and3A_298 = arith.andi %eq3A_296, %lt3A_297 : vector<16xi1>
      %or3A_299 = arith.ori %gt3A_295, %and3A_298 : vector<16xi1>
      %gt3A_300 = arith.cmpi sgt, %iota3A, %or3A_288 : vector<16xi32>
      %ne3A_301 = arith.xori %or3A_299, %gt3A_300 : vector<16xi1>
      %select_n3A_302 = arith.select %ne3A_301, %select_n3A_280, %gather3A_291 : vector<16xi1>, vector<16xf32>
      %select_n3A_303 = arith.select %ne3A_301, %select_n3A_281, %gather3A_294 : vector<16xi1>, vector<16xi32>
      %and3A_304 = arith.constant 8 : i32
      %and3A_305 = vector.broadcast %and3A_304 : i32 to vector<16xi32>
      %and3A_306 = arith.andi %iota3A, %and3A_305 : vector<16xi32>
      %broadcast_in_dim3A_307 = vector.shape_cast %and3A_306 : vector<16xi32> to vector<16x1xi32>
      %gather3A_308 = vector.shape_cast %broadcast_in_dim3A_307 : vector<16x1xi32> to vector<16xi32>
      %gather3A_309 = tpu.dynamic_gather %select_n3A_302[%gather3A_308] in [0] : vector<16xf32>, vector<16xi32> -> vector<16xf32>
      %sub3A_310 = arith.subf %select_n3A_302, %gather3A_309 : vector<16xf32>
      %exp3A_311 = math.exp %sub3A_310 : vector<16xf32>
      %xor3A_312 = arith.constant 1 : i32
      %xor3A_313 = vector.broadcast %xor3A_312 : i32 to vector<16xi32>
      %xor3A_314 = arith.xori %iota3A, %xor3A_313 : vector<16xi32>
      %broadcast_in_dim3A_315 = vector.shape_cast %xor3A_314 : vector<16xi32> to vector<16x1xi32>
      %gather3A_316 = vector.shape_cast %broadcast_in_dim3A_315 : vector<16x1xi32> to vector<16xi32>
      %gather3A_317 = tpu.dynamic_gather %exp3A_311[%gather3A_316] in [0] : vector<16xf32>, vector<16xi32> -> vector<16xf32>
      %add3A_318 = arith.addf %exp3A_311, %gather3A_317 : vector<16xf32>
      %xor3A_319 = arith.constant 2 : i32
      %xor3A_320 = vector.broadcast %xor3A_319 : i32 to vector<16xi32>
      %xor3A_321 = arith.xori %iota3A, %xor3A_320 : vector<16xi32>
      %broadcast_in_dim3A_322 = vector.shape_cast %xor3A_321 : vector<16xi32> to vector<16x1xi32>
      %gather3A_323 = vector.shape_cast %broadcast_in_dim3A_322 : vector<16x1xi32> to vector<16xi32>
      %gather3A_324 = tpu.dynamic_gather %add3A_318[%gather3A_323] in [0] : vector<16xf32>, vector<16xi32> -> vector<16xf32>
      %add3A_325 = arith.addf %add3A_318, %gather3A_324 : vector<16xf32>
      %div3A_326 = arith.divf %exp3A_311, %add3A_325 : vector<16xf32>
      %broadcast_in_dim3A_327 = vector.shape_cast %add3A_8 : vector<16xi32> to vector<16x1xi32>
      %gather3A_328 = vector.shape_cast %broadcast_in_dim3A_327 : vector<16x1xi32> to vector<16xi32>
      %gather3A_329 = tpu.dynamic_gather %div3A_326[%gather3A_328] in [0] : vector<16xf32>, vector<16xi32> -> vector<16xf32>
      %broadcast_in_dim3A_330 = vector.shape_cast %add3A_8 : vector<16xi32> to vector<16x1xi32>
      %gather3A_331 = vector.shape_cast %broadcast_in_dim3A_330 : vector<16x1xi32> to vector<16xi32>
      %gather3A_332 = tpu.dynamic_gather %select_n3A_303[%gather3A_331] in [0] : vector<16xi32>, vector<16xi32> -> vector<16xi32>
      %add3A_333 = arith.constant 48 : i32
      %add3A_334 = arith.addi %mul3A_20, %add3A_333 : i32
      %get3A_335 = arith.index_cast %add3A_334 : i32 to index
      %get3A_336 = tpu.vector_load %arg6[%get3A_335] {strides = array<i32>} : memref<8192xf32, #tpu.memory_space<vmem>>, vector<16xf32>,
      %get3A_337 = vector.shape_cast %get3A_336 : vector<16xf32> to vector<16xf32>
      %add3A_338 = arith.constant 48 : i32
      %add3A_339 = arith.addi %mul3A_20, %add3A_338 : i32
      %get3A_340 = arith.index_cast %add3A_339 : i32 to index
      %get3A_341 = tpu.vector_load %arg7[%get3A_340] {strides = array<i32>} : memref<8192xi32, #tpu.memory_space<vmem>>, vector<16xi32>,
      %get3A_342 = vector.shape_cast %get3A_341 : vector<16xi32> to vector<16xi32>
      %and3A_343 = arith.constant 7 : i32
      %and3A_344 = vector.broadcast %and3A_343 : i32 to vector<16xi32>
      %and3A_345 = arith.andi %iota3A, %and3A_344 : vector<16xi32>
      %and3A_346 = arith.constant -8 : i32
      %and3A_347 = vector.broadcast %and3A_346 : i32 to vector<16xi32>
      %and3A_348 = arith.andi %iota3A, %and3A_347 : vector<16xi32>
      %xor3A_349 = arith.constant 7 : i32
      %xor3A_350 = vector.broadcast %xor3A_349 : i32 to vector<16xi32>
      %xor3A_351 = arith.xori %and3A_345, %xor3A_350 : vector<16xi32>
      %or3A_352 = arith.ori %and3A_348, %xor3A_351 : vector<16xi32>
      %broadcast_in_dim3A_353 = vector.shape_cast %or3A_352 : vector<16xi32> to vector<16x1xi32>
      %gather3A_354 = vector.shape_cast %broadcast_in_dim3A_353 : vector<16x1xi32> to vector<16xi32>
      %gather3A_355 = tpu.dynamic_gather %get3A_337[%gather3A_354] in [0] : vector<16xf32>, vector<16xi32> -> vector<16xf32>
      %broadcast_in_dim3A_356 = vector.shape_cast %or3A_352 : vector<16xi32> to vector<16x1xi32>
      %gather3A_357 = vector.shape_cast %broadcast_in_dim3A_356 : vector<16x1xi32> to vector<16xi32>
      %gather3A_358 = tpu.dynamic_gather %get3A_342[%gather3A_357] in [0] : vector<16xi32>, vector<16xi32> -> vector<16xi32>
      %gt3A_359 = arith.cmpf ogt, %get3A_337, %gather3A_355 : vector<16xf32>
      %eq3A_360 = arith.cmpf oeq, %get3A_337, %gather3A_355 : vector<16xf32>
      %lt3A_361 = arith.cmpi slt, %get3A_342, %gather3A_358 : vector<16xi32>
      %and3A_362 = arith.andi %eq3A_360, %lt3A_361 : vector<16xi1>
      %or3A_363 = arith.ori %gt3A_359, %and3A_362 : vector<16xi1>
      %gt3A_364 = arith.cmpi sgt, %iota3A, %or3A_352 : vector<16xi32>
      %ne3A_365 = arith.xori %or3A_363, %gt3A_364 : vector<16xi1>
      %select_n3A_366 = arith.select %ne3A_365, %get3A_337, %gather3A_355 : vector<16xi1>, vector<16xf32>
      %select_n3A_367 = arith.select %ne3A_365, %get3A_342, %gather3A_358 : vector<16xi1>, vector<16xi32>
      %and3A_368 = arith.constant -8 : i32
      %and3A_369 = vector.broadcast %and3A_368 : i32 to vector<16xi32>
      %and3A_370 = arith.andi %iota3A, %and3A_369 : vector<16xi32>
      %xor3A_371 = arith.constant 2 : i32
      %xor3A_372 = vector.broadcast %xor3A_371 : i32 to vector<16xi32>
      %xor3A_373 = arith.xori %and3A_345, %xor3A_372 : vector<16xi32>
      %or3A_374 = arith.ori %and3A_370, %xor3A_373 : vector<16xi32>
      %broadcast_in_dim3A_375 = vector.shape_cast %or3A_374 : vector<16xi32> to vector<16x1xi32>
      %gather3A_376 = vector.shape_cast %broadcast_in_dim3A_375 : vector<16x1xi32> to vector<16xi32>
      %gather3A_377 = tpu.dynamic_gather %select_n3A_366[%gather3A_376] in [0] : vector<16xf32>, vector<16xi32> -> vector<16xf32>
      %broadcast_in_dim3A_378 = vector.shape_cast %or3A_374 : vector<16xi32> to vector<16x1xi32>
      %gather3A_379 = vector.shape_cast %broadcast_in_dim3A_378 : vector<16x1xi32> to vector<16xi32>
      %gather3A_380 = tpu.dynamic_gather %select_n3A_367[%gather3A_379] in [0] : vector<16xi32>, vector<16xi32> -> vector<16xi32>
      %gt3A_381 = arith.cmpf ogt, %select_n3A_366, %gather3A_377 : vector<16xf32>
      %eq3A_382 = arith.cmpf oeq, %select_n3A_366, %gather3A_377 : vector<16xf32>
      %lt3A_383 = arith.cmpi slt, %select_n3A_367, %gather3A_380 : vector<16xi32>
      %and3A_384 = arith.andi %eq3A_382, %lt3A_383 : vector<16xi1>
      %or3A_385 = arith.ori %gt3A_381, %and3A_384 : vector<16xi1>
      %gt3A_386 = arith.cmpi sgt, %iota3A, %or3A_374 : vector<16xi32>
      %ne3A_387 = arith.xori %or3A_385, %gt3A_386 : vector<16xi1>
      %select_n3A_388 = arith.select %ne3A_387, %select_n3A_366, %gather3A_377 : vector<16xi1>, vector<16xf32>
      %select_n3A_389 = arith.select %ne3A_387, %select_n3A_367, %gather3A_380 : vector<16xi1>, vector<16xi32>
      %and3A_390 = arith.constant -8 : i32
      %and3A_391 = vector.broadcast %and3A_390 : i32 to vector<16xi32>
      %and3A_392 = arith.andi %iota3A, %and3A_391 : vector<16xi32>
      %xor3A_393 = arith.constant 1 : i32
      %xor3A_394 = vector.broadcast %xor3A_393 : i32 to vector<16xi32>
      %xor3A_395 = arith.xori %and3A_345, %xor3A_394 : vector<16xi32>
      %or3A_396 = arith.ori %and3A_392, %xor3A_395 : vector<16xi32>
      %broadcast_in_dim3A_397 = vector.shape_cast %or3A_396 : vector<16xi32> to vector<16x1xi32>
      %gather3A_398 = vector.shape_cast %broadcast_in_dim3A_397 : vector<16x1xi32> to vector<16xi32>
      %gather3A_399 = tpu.dynamic_gather %select_n3A_388[%gather3A_398] in [0] : vector<16xf32>, vector<16xi32> -> vector<16xf32>
      %broadcast_in_dim3A_400 = vector.shape_cast %or3A_396 : vector<16xi32> to vector<16x1xi32>
      %gather3A_401 = vector.shape_cast %broadcast_in_dim3A_400 : vector<16x1xi32> to vector<16xi32>
      %gather3A_402 = tpu.dynamic_gather %select_n3A_389[%gather3A_401] in [0] : vector<16xi32>, vector<16xi32> -> vector<16xi32>
      %gt3A_403 = arith.cmpf ogt, %select_n3A_388, %gather3A_399 : vector<16xf32>
      %eq3A_404 = arith.cmpf oeq, %select_n3A_388, %gather3A_399 : vector<16xf32>
      %lt3A_405 = arith.cmpi slt, %select_n3A_389, %gather3A_402 : vector<16xi32>
      %and3A_406 = arith.andi %eq3A_404, %lt3A_405 : vector<16xi1>
      %or3A_407 = arith.ori %gt3A_403, %and3A_406 : vector<16xi1>
      %gt3A_408 = arith.cmpi sgt, %iota3A, %or3A_396 : vector<16xi32>
      %ne3A_409 = arith.xori %or3A_407, %gt3A_408 : vector<16xi1>
      %select_n3A_410 = arith.select %ne3A_409, %select_n3A_388, %gather3A_399 : vector<16xi1>, vector<16xf32>
      %select_n3A_411 = arith.select %ne3A_409, %select_n3A_389, %gather3A_402 : vector<16xi1>, vector<16xi32>
      %and3A_412 = arith.constant 8 : i32
      %and3A_413 = vector.broadcast %and3A_412 : i32 to vector<16xi32>
      %and3A_414 = arith.andi %iota3A, %and3A_413 : vector<16xi32>
      %broadcast_in_dim3A_415 = vector.shape_cast %and3A_414 : vector<16xi32> to vector<16x1xi32>
      %gather3A_416 = vector.shape_cast %broadcast_in_dim3A_415 : vector<16x1xi32> to vector<16xi32>
      %gather3A_417 = tpu.dynamic_gather %select_n3A_410[%gather3A_416] in [0] : vector<16xf32>, vector<16xi32> -> vector<16xf32>
      %sub3A_418 = arith.subf %select_n3A_410, %gather3A_417 : vector<16xf32>
      %exp3A_419 = math.exp %sub3A_418 : vector<16xf32>
      %xor3A_420 = arith.constant 1 : i32
      %xor3A_421 = vector.broadcast %xor3A_420 : i32 to vector<16xi32>
      %xor3A_422 = arith.xori %iota3A, %xor3A_421 : vector<16xi32>
      %broadcast_in_dim3A_423 = vector.shape_cast %xor3A_422 : vector<16xi32> to vector<16x1xi32>
      %gather3A_424 = vector.shape_cast %broadcast_in_dim3A_423 : vector<16x1xi32> to vector<16xi32>
      %gather3A_425 = tpu.dynamic_gather %exp3A_419[%gather3A_424] in [0] : vector<16xf32>, vector<16xi32> -> vector<16xf32>
      %add3A_426 = arith.addf %exp3A_419, %gather3A_425 : vector<16xf32>
      %xor3A_427 = arith.constant 2 : i32
      %xor3A_428 = vector.broadcast %xor3A_427 : i32 to vector<16xi32>
      %xor3A_429 = arith.xori %iota3A, %xor3A_428 : vector<16xi32>
      %broadcast_in_dim3A_430 = vector.shape_cast %xor3A_429 : vector<16xi32> to vector<16x1xi32>
      %gather3A_431 = vector.shape_cast %broadcast_in_dim3A_430 : vector<16x1xi32> to vector<16xi32>
      %gather3A_432 = tpu.dynamic_gather %add3A_426[%gather3A_431] in [0] : vector<16xf32>, vector<16xi32> -> vector<16xf32>
      %add3A_433 = arith.addf %add3A_426, %gather3A_432 : vector<16xf32>
      %div3A_434 = arith.divf %exp3A_419, %add3A_433 : vector<16xf32>
      %broadcast_in_dim3A_435 = vector.shape_cast %add3A_8 : vector<16xi32> to vector<16x1xi32>
      %gather3A_436 = vector.shape_cast %broadcast_in_dim3A_435 : vector<16x1xi32> to vector<16xi32>
      %gather3A_437 = tpu.dynamic_gather %div3A_434[%gather3A_436] in [0] : vector<16xf32>, vector<16xi32> -> vector<16xf32>
      %broadcast_in_dim3A_438 = vector.shape_cast %add3A_8 : vector<16xi32> to vector<16x1xi32>
      %gather3A_439 = vector.shape_cast %broadcast_in_dim3A_438 : vector<16x1xi32> to vector<16xi32>
      %gather3A_440 = tpu.dynamic_gather %select_n3A_411[%gather3A_439] in [0] : vector<16xi32>, vector<16xi32> -> vector<16xi32>
      %add3A_441 = arith.constant 64 : i32
      %add3A_442 = arith.addi %mul3A_20, %add3A_441 : i32
      %get3A_443 = arith.index_cast %add3A_442 : i32 to index
      %get3A_444 = tpu.vector_load %arg6[%get3A_443] {strides = array<i32>} : memref<8192xf32, #tpu.memory_space<vmem>>, vector<16xf32>,
      %get3A_445 = vector.shape_cast %get3A_444 : vector<16xf32> to vector<16xf32>
      %add3A_446 = arith.constant 64 : i32
      %add3A_447 = arith.addi %mul3A_20, %add3A_446 : i32
      %get3A_448 = arith.index_cast %add3A_447 : i32 to index
      %get3A_449 = tpu.vector_load %arg7[%get3A_448] {strides = array<i32>} : memref<8192xi32, #tpu.memory_space<vmem>>, vector<16xi32>,
      %get3A_450 = vector.shape_cast %get3A_449 : vector<16xi32> to vector<16xi32>
      %and3A_451 = arith.constant 7 : i32
      %and3A_452 = vector.broadcast %and3A_451 : i32 to vector<16xi32>
      %and3A_453 = arith.andi %iota3A, %and3A_452 : vector<16xi32>
      %and3A_454 = arith.constant -8 : i32
      %and3A_455 = vector.broadcast %and3A_454 : i32 to vector<16xi32>
      %and3A_456 = arith.andi %iota3A, %and3A_455 : vector<16xi32>
      %xor3A_457 = arith.constant 7 : i32
      %xor3A_458 = vector.broadcast %xor3A_457 : i32 to vector<16xi32>
      %xor3A_459 = arith.xori %and3A_453, %xor3A_458 : vector<16xi32>
      %or3A_460 = arith.ori %and3A_456, %xor3A_459 : vector<16xi32>
      %broadcast_in_dim3A_461 = vector.shape_cast %or3A_460 : vector<16xi32> to vector<16x1xi32>
      %gather3A_462 = vector.shape_cast %broadcast_in_dim3A_461 : vector<16x1xi32> to vector<16xi32>
      %gather3A_463 = tpu.dynamic_gather %get3A_445[%gather3A_462] in [0] : vector<16xf32>, vector<16xi32> -> vector<16xf32>
      %broadcast_in_dim3A_464 = vector.shape_cast %or3A_460 : vector<16xi32> to vector<16x1xi32>
      %gather3A_465 = vector.shape_cast %broadcast_in_dim3A_464 : vector<16x1xi32> to vector<16xi32>
      %gather3A_466 = tpu.dynamic_gather %get3A_450[%gather3A_465] in [0] : vector<16xi32>, vector<16xi32> -> vector<16xi32>
      %gt3A_467 = arith.cmpf ogt, %get3A_445, %gather3A_463 : vector<16xf32>
      %eq3A_468 = arith.cmpf oeq, %get3A_445, %gather3A_463 : vector<16xf32>
      %lt3A_469 = arith.cmpi slt, %get3A_450, %gather3A_466 : vector<16xi32>
      %and3A_470 = arith.andi %eq3A_468, %lt3A_469 : vector<16xi1>
      %or3A_471 = arith.ori %gt3A_467, %and3A_470 : vector<16xi1>
      %gt3A_472 = arith.cmpi sgt, %iota3A, %or3A_460 : vector<16xi32>
      %ne3A_473 = arith.xori %or3A_471, %gt3A_472 : vector<16xi1>
      %select_n3A_474 = arith.select %ne3A_473, %get3A_445, %gather3A_463 : vector<16xi1>, vector<16xf32>
      %select_n3A_475 = arith.select %ne3A_473, %get3A_450, %gather3A_466 : vector<16xi1>, vector<16xi32>
      %and3A_476 = arith.constant -8 : i32
      %and3A_477 = vector.broadcast %and3A_476 : i32 to vector<16xi32>
      %and3A_478 = arith.andi %iota3A, %and3A_477 : vector<16xi32>
      %xor3A_479 = arith.constant 2 : i32
      %xor3A_480 = vector.broadcast %xor3A_479 : i32 to vector<16xi32>
      %xor3A_481 = arith.xori %and3A_453, %xor3A_480 : vector<16xi32>
      %or3A_482 = arith.ori %and3A_478, %xor3A_481 : vector<16xi32>
      %broadcast_in_dim3A_483 = vector.shape_cast %or3A_482 : vector<16xi32> to vector<16x1xi32>
      %gather3A_484 = vector.shape_cast %broadcast_in_dim3A_483 : vector<16x1xi32> to vector<16xi32>
      %gather3A_485 = tpu.dynamic_gather %select_n3A_474[%gather3A_484] in [0] : vector<16xf32>, vector<16xi32> -> vector<16xf32>
      %broadcast_in_dim3A_486 = vector.shape_cast %or3A_482 : vector<16xi32> to vector<16x1xi32>
      %gather3A_487 = vector.shape_cast %broadcast_in_dim3A_486 : vector<16x1xi32> to vector<16xi32>
      %gather3A_488 = tpu.dynamic_gather %select_n3A_475[%gather3A_487] in [0] : vector<16xi32>, vector<16xi32> -> vector<16xi32>
      %gt3A_489 = arith.cmpf ogt, %select_n3A_474, %gather3A_485 : vector<16xf32>
      %eq3A_490 = arith.cmpf oeq, %select_n3A_474, %gather3A_485 : vector<16xf32>
      %lt3A_491 = arith.cmpi slt, %select_n3A_475, %gather3A_488 : vector<16xi32>
      %and3A_492 = arith.andi %eq3A_490, %lt3A_491 : vector<16xi1>
      %or3A_493 = arith.ori %gt3A_489, %and3A_492 : vector<16xi1>
      %gt3A_494 = arith.cmpi sgt, %iota3A, %or3A_482 : vector<16xi32>
      %ne3A_495 = arith.xori %or3A_493, %gt3A_494 : vector<16xi1>
      %select_n3A_496 = arith.select %ne3A_495, %select_n3A_474, %gather3A_485 : vector<16xi1>, vector<16xf32>
      %select_n3A_497 = arith.select %ne3A_495, %select_n3A_475, %gather3A_488 : vector<16xi1>, vector<16xi32>
      %and3A_498 = arith.constant -8 : i32
      %and3A_499 = vector.broadcast %and3A_498 : i32 to vector<16xi32>
      %and3A_500 = arith.andi %iota3A, %and3A_499 : vector<16xi32>
      %xor3A_501 = arith.constant 1 : i32
      %xor3A_502 = vector.broadcast %xor3A_501 : i32 to vector<16xi32>
      %xor3A_503 = arith.xori %and3A_453, %xor3A_502 : vector<16xi32>
      %or3A_504 = arith.ori %and3A_500, %xor3A_503 : vector<16xi32>
      %broadcast_in_dim3A_505 = vector.shape_cast %or3A_504 : vector<16xi32> to vector<16x1xi32>
      %gather3A_506 = vector.shape_cast %broadcast_in_dim3A_505 : vector<16x1xi32> to vector<16xi32>
      %gather3A_507 = tpu.dynamic_gather %select_n3A_496[%gather3A_506] in [0] : vector<16xf32>, vector<16xi32> -> vector<16xf32>
      %broadcast_in_dim3A_508 = vector.shape_cast %or3A_504 : vector<16xi32> to vector<16x1xi32>
      %gather3A_509 = vector.shape_cast %broadcast_in_dim3A_508 : vector<16x1xi32> to vector<16xi32>
      %gather3A_510 = tpu.dynamic_gather %select_n3A_497[%gather3A_509] in [0] : vector<16xi32>, vector<16xi32> -> vector<16xi32>
      %gt3A_511 = arith.cmpf ogt, %select_n3A_496, %gather3A_507 : vector<16xf32>
      %eq3A_512 = arith.cmpf oeq, %select_n3A_496, %gather3A_507 : vector<16xf32>
      %lt3A_513 = arith.cmpi slt, %select_n3A_497, %gather3A_510 : vector<16xi32>
      %and3A_514 = arith.andi %eq3A_512, %lt3A_513 : vector<16xi1>
      %or3A_515 = arith.ori %gt3A_511, %and3A_514 : vector<16xi1>
      %gt3A_516 = arith.cmpi sgt, %iota3A, %or3A_504 : vector<16xi32>
      %ne3A_517 = arith.xori %or3A_515, %gt3A_516 : vector<16xi1>
      %select_n3A_518 = arith.select %ne3A_517, %select_n3A_496, %gather3A_507 : vector<16xi1>, vector<16xf32>
      %select_n3A_519 = arith.select %ne3A_517, %select_n3A_497, %gather3A_510 : vector<16xi1>, vector<16xi32>
      %and3A_520 = arith.constant 8 : i32
      %and3A_521 = vector.broadcast %and3A_520 : i32 to vector<16xi32>
      %and3A_522 = arith.andi %iota3A, %and3A_521 : vector<16xi32>
      %broadcast_in_dim3A_523 = vector.shape_cast %and3A_522 : vector<16xi32> to vector<16x1xi32>
      %gather3A_524 = vector.shape_cast %broadcast_in_dim3A_523 : vector<16x1xi32> to vector<16xi32>
      %gather3A_525 = tpu.dynamic_gather %select_n3A_518[%gather3A_524] in [0] : vector<16xf32>, vector<16xi32> -> vector<16xf32>
      %sub3A_526 = arith.subf %select_n3A_518, %gather3A_525 : vector<16xf32>
      %exp3A_527 = math.exp %sub3A_526 : vector<16xf32>
      %xor3A_528 = arith.constant 1 : i32
      %xor3A_529 = vector.broadcast %xor3A_528 : i32 to vector<16xi32>
      %xor3A_530 = arith.xori %iota3A, %xor3A_529 : vector<16xi32>
      %broadcast_in_dim3A_531 = vector.shape_cast %xor3A_530 : vector<16xi32> to vector<16x1xi32>
      %gather3A_532 = vector.shape_cast %broadcast_in_dim3A_531 : vector<16x1xi32> to vector<16xi32>
      %gather3A_533 = tpu.dynamic_gather %exp3A_527[%gather3A_532] in [0] : vector<16xf32>, vector<16xi32> -> vector<16xf32>
      %add3A_534 = arith.addf %exp3A_527, %gather3A_533 : vector<16xf32>
      %xor3A_535 = arith.constant 2 : i32
      %xor3A_536 = vector.broadcast %xor3A_535 : i32 to vector<16xi32>
      %xor3A_537 = arith.xori %iota3A, %xor3A_536 : vector<16xi32>
      %broadcast_in_dim3A_538 = vector.shape_cast %xor3A_537 : vector<16xi32> to vector<16x1xi32>
      %gather3A_539 = vector.shape_cast %broadcast_in_dim3A_538 : vector<16x1xi32> to vector<16xi32>
      %gather3A_540 = tpu.dynamic_gather %add3A_534[%gather3A_539] in [0] : vector<16xf32>, vector<16xi32> -> vector<16xf32>
      %add3A_541 = arith.addf %add3A_534, %gather3A_540 : vector<16xf32>
      %div3A_542 = arith.divf %exp3A_527, %add3A_541 : vector<16xf32>
      %broadcast_in_dim3A_543 = vector.shape_cast %add3A_8 : vector<16xi32> to vector<16x1xi32>
      %gather3A_544 = vector.shape_cast %broadcast_in_dim3A_543 : vector<16x1xi32> to vector<16xi32>
      %gather3A_545 = tpu.dynamic_gather %div3A_542[%gather3A_544] in [0] : vector<16xf32>, vector<16xi32> -> vector<16xf32>
      %broadcast_in_dim3A_546 = vector.shape_cast %add3A_8 : vector<16xi32> to vector<16x1xi32>
      %gather3A_547 = vector.shape_cast %broadcast_in_dim3A_546 : vector<16x1xi32> to vector<16xi32>
      %gather3A_548 = tpu.dynamic_gather %select_n3A_519[%gather3A_547] in [0] : vector<16xi32>, vector<16xi32> -> vector<16xi32>
      %add3A_549 = arith.constant 80 : i32
      %add3A_550 = arith.addi %mul3A_20, %add3A_549 : i32
      %get3A_551 = arith.index_cast %add3A_550 : i32 to index
      %get3A_552 = tpu.vector_load %arg6[%get3A_551] {strides = array<i32>} : memref<8192xf32, #tpu.memory_space<vmem>>, vector<16xf32>,
      %get3A_553 = vector.shape_cast %get3A_552 : vector<16xf32> to vector<16xf32>
      %add3A_554 = arith.constant 80 : i32
      %add3A_555 = arith.addi %mul3A_20, %add3A_554 : i32
      %get3A_556 = arith.index_cast %add3A_555 : i32 to index
      %get3A_557 = tpu.vector_load %arg7[%get3A_556] {strides = array<i32>} : memref<8192xi32, #tpu.memory_space<vmem>>, vector<16xi32>,
      %get3A_558 = vector.shape_cast %get3A_557 : vector<16xi32> to vector<16xi32>
      %and3A_559 = arith.constant 7 : i32
      %and3A_560 = vector.broadcast %and3A_559 : i32 to vector<16xi32>
      %and3A_561 = arith.andi %iota3A, %and3A_560 : vector<16xi32>
      %and3A_562 = arith.constant -8 : i32
      %and3A_563 = vector.broadcast %and3A_562 : i32 to vector<16xi32>
      %and3A_564 = arith.andi %iota3A, %and3A_563 : vector<16xi32>
      %xor3A_565 = arith.constant 7 : i32
      %xor3A_566 = vector.broadcast %xor3A_565 : i32 to vector<16xi32>
      %xor3A_567 = arith.xori %and3A_561, %xor3A_566 : vector<16xi32>
      %or3A_568 = arith.ori %and3A_564, %xor3A_567 : vector<16xi32>
      %broadcast_in_dim3A_569 = vector.shape_cast %or3A_568 : vector<16xi32> to vector<16x1xi32>
      %gather3A_570 = vector.shape_cast %broadcast_in_dim3A_569 : vector<16x1xi32> to vector<16xi32>
      %gather3A_571 = tpu.dynamic_gather %get3A_553[%gather3A_570] in [0] : vector<16xf32>, vector<16xi32> -> vector<16xf32>
      %broadcast_in_dim3A_572 = vector.shape_cast %or3A_568 : vector<16xi32> to vector<16x1xi32>
      %gather3A_573 = vector.shape_cast %broadcast_in_dim3A_572 : vector<16x1xi32> to vector<16xi32>
      %gather3A_574 = tpu.dynamic_gather %get3A_558[%gather3A_573] in [0] : vector<16xi32>, vector<16xi32> -> vector<16xi32>
      %gt3A_575 = arith.cmpf ogt, %get3A_553, %gather3A_571 : vector<16xf32>
      %eq3A_576 = arith.cmpf oeq, %get3A_553, %gather3A_571 : vector<16xf32>
      %lt3A_577 = arith.cmpi slt, %get3A_558, %gather3A_574 : vector<16xi32>
      %and3A_578 = arith.andi %eq3A_576, %lt3A_577 : vector<16xi1>
      %or3A_579 = arith.ori %gt3A_575, %and3A_578 : vector<16xi1>
      %gt3A_580 = arith.cmpi sgt, %iota3A, %or3A_568 : vector<16xi32>
      %ne3A_581 = arith.xori %or3A_579, %gt3A_580 : vector<16xi1>
      %select_n3A_582 = arith.select %ne3A_581, %get3A_553, %gather3A_571 : vector<16xi1>, vector<16xf32>
      %select_n3A_583 = arith.select %ne3A_581, %get3A_558, %gather3A_574 : vector<16xi1>, vector<16xi32>
      %and3A_584 = arith.constant -8 : i32
      %and3A_585 = vector.broadcast %and3A_584 : i32 to vector<16xi32>
      %and3A_586 = arith.andi %iota3A, %and3A_585 : vector<16xi32>
      %xor3A_587 = arith.constant 2 : i32
      %xor3A_588 = vector.broadcast %xor3A_587 : i32 to vector<16xi32>
      %xor3A_589 = arith.xori %and3A_561, %xor3A_588 : vector<16xi32>
      %or3A_590 = arith.ori %and3A_586, %xor3A_589 : vector<16xi32>
      %broadcast_in_dim3A_591 = vector.shape_cast %or3A_590 : vector<16xi32> to vector<16x1xi32>
      %gather3A_592 = vector.shape_cast %broadcast_in_dim3A_591 : vector<16x1xi32> to vector<16xi32>
      %gather3A_593 = tpu.dynamic_gather %select_n3A_582[%gather3A_592] in [0] : vector<16xf32>, vector<16xi32> -> vector<16xf32>
      %broadcast_in_dim3A_594 = vector.shape_cast %or3A_590 : vector<16xi32> to vector<16x1xi32>
      %gather3A_595 = vector.shape_cast %broadcast_in_dim3A_594 : vector<16x1xi32> to vector<16xi32>
      %gather3A_596 = tpu.dynamic_gather %select_n3A_583[%gather3A_595] in [0] : vector<16xi32>, vector<16xi32> -> vector<16xi32>
      %gt3A_597 = arith.cmpf ogt, %select_n3A_582, %gather3A_593 : vector<16xf32>
      %eq3A_598 = arith.cmpf oeq, %select_n3A_582, %gather3A_593 : vector<16xf32>
      %lt3A_599 = arith.cmpi slt, %select_n3A_583, %gather3A_596 : vector<16xi32>
      %and3A_600 = arith.andi %eq3A_598, %lt3A_599 : vector<16xi1>
      %or3A_601 = arith.ori %gt3A_597, %and3A_600 : vector<16xi1>
      %gt3A_602 = arith.cmpi sgt, %iota3A, %or3A_590 : vector<16xi32>
      %ne3A_603 = arith.xori %or3A_601, %gt3A_602 : vector<16xi1>
      %select_n3A_604 = arith.select %ne3A_603, %select_n3A_582, %gather3A_593 : vector<16xi1>, vector<16xf32>
      %select_n3A_605 = arith.select %ne3A_603, %select_n3A_583, %gather3A_596 : vector<16xi1>, vector<16xi32>
      %and3A_606 = arith.constant -8 : i32
      %and3A_607 = vector.broadcast %and3A_606 : i32 to vector<16xi32>
      %and3A_608 = arith.andi %iota3A, %and3A_607 : vector<16xi32>
      %xor3A_609 = arith.constant 1 : i32
      %xor3A_610 = vector.broadcast %xor3A_609 : i32 to vector<16xi32>
      %xor3A_611 = arith.xori %and3A_561, %xor3A_610 : vector<16xi32>
      %or3A_612 = arith.ori %and3A_608, %xor3A_611 : vector<16xi32>
      %broadcast_in_dim3A_613 = vector.shape_cast %or3A_612 : vector<16xi32> to vector<16x1xi32>
      %gather3A_614 = vector.shape_cast %broadcast_in_dim3A_613 : vector<16x1xi32> to vector<16xi32>
      %gather3A_615 = tpu.dynamic_gather %select_n3A_604[%gather3A_614] in [0] : vector<16xf32>, vector<16xi32> -> vector<16xf32>
      %broadcast_in_dim3A_616 = vector.shape_cast %or3A_612 : vector<16xi32> to vector<16x1xi32>
      %gather3A_617 = vector.shape_cast %broadcast_in_dim3A_616 : vector<16x1xi32> to vector<16xi32>
      %gather3A_618 = tpu.dynamic_gather %select_n3A_605[%gather3A_617] in [0] : vector<16xi32>, vector<16xi32> -> vector<16xi32>
      %gt3A_619 = arith.cmpf ogt, %select_n3A_604, %gather3A_615 : vector<16xf32>
      %eq3A_620 = arith.cmpf oeq, %select_n3A_604, %gather3A_615 : vector<16xf32>
      %lt3A_621 = arith.cmpi slt, %select_n3A_605, %gather3A_618 : vector<16xi32>
      %and3A_622 = arith.andi %eq3A_620, %lt3A_621 : vector<16xi1>
      %or3A_623 = arith.ori %gt3A_619, %and3A_622 : vector<16xi1>
      %gt3A_624 = arith.cmpi sgt, %iota3A, %or3A_612 : vector<16xi32>
      %ne3A_625 = arith.xori %or3A_623, %gt3A_624 : vector<16xi1>
      %select_n3A_626 = arith.select %ne3A_625, %select_n3A_604, %gather3A_615 : vector<16xi1>, vector<16xf32>
      %select_n3A_627 = arith.select %ne3A_625, %select_n3A_605, %gather3A_618 : vector<16xi1>, vector<16xi32>
      %and3A_628 = arith.constant 8 : i32
      %and3A_629 = vector.broadcast %and3A_628 : i32 to vector<16xi32>
      %and3A_630 = arith.andi %iota3A, %and3A_629 : vector<16xi32>
      %broadcast_in_dim3A_631 = vector.shape_cast %and3A_630 : vector<16xi32> to vector<16x1xi32>
      %gather3A_632 = vector.shape_cast %broadcast_in_dim3A_631 : vector<16x1xi32> to vector<16xi32>
      %gather3A_633 = tpu.dynamic_gather %select_n3A_626[%gather3A_632] in [0] : vector<16xf32>, vector<16xi32> -> vector<16xf32>
      %sub3A_634 = arith.subf %select_n3A_626, %gather3A_633 : vector<16xf32>
      %exp3A_635 = math.exp %sub3A_634 : vector<16xf32>
      %xor3A_636 = arith.constant 1 : i32
      %xor3A_637 = vector.broadcast %xor3A_636 : i32 to vector<16xi32>
      %xor3A_638 = arith.xori %iota3A, %xor3A_637 : vector<16xi32>
      %broadcast_in_dim3A_639 = vector.shape_cast %xor3A_638 : vector<16xi32> to vector<16x1xi32>
      %gather3A_640 = vector.shape_cast %broadcast_in_dim3A_639 : vector<16x1xi32> to vector<16xi32>
      %gather3A_641 = tpu.dynamic_gather %exp3A_635[%gather3A_640] in [0] : vector<16xf32>, vector<16xi32> -> vector<16xf32>
      %add3A_642 = arith.addf %exp3A_635, %gather3A_641 : vector<16xf32>
      %xor3A_643 = arith.constant 2 : i32
      %xor3A_644 = vector.broadcast %xor3A_643 : i32 to vector<16xi32>
      %xor3A_645 = arith.xori %iota3A, %xor3A_644 : vector<16xi32>
      %broadcast_in_dim3A_646 = vector.shape_cast %xor3A_645 : vector<16xi32> to vector<16x1xi32>
      %gather3A_647 = vector.shape_cast %broadcast_in_dim3A_646 : vector<16x1xi32> to vector<16xi32>
      %gather3A_648 = tpu.dynamic_gather %add3A_642[%gather3A_647] in [0] : vector<16xf32>, vector<16xi32> -> vector<16xf32>
      %add3A_649 = arith.addf %add3A_642, %gather3A_648 : vector<16xf32>
      %div3A_650 = arith.divf %exp3A_635, %add3A_649 : vector<16xf32>
      %broadcast_in_dim3A_651 = vector.shape_cast %add3A_8 : vector<16xi32> to vector<16x1xi32>
      %gather3A_652 = vector.shape_cast %broadcast_in_dim3A_651 : vector<16x1xi32> to vector<16xi32>
      %gather3A_653 = tpu.dynamic_gather %div3A_650[%gather3A_652] in [0] : vector<16xf32>, vector<16xi32> -> vector<16xf32>
      %broadcast_in_dim3A_654 = vector.shape_cast %add3A_8 : vector<16xi32> to vector<16x1xi32>
      %gather3A_655 = vector.shape_cast %broadcast_in_dim3A_654 : vector<16x1xi32> to vector<16xi32>
      %gather3A_656 = tpu.dynamic_gather %select_n3A_627[%gather3A_655] in [0] : vector<16xi32>, vector<16xi32> -> vector<16xi32>
      %add3A_657 = arith.constant 96 : i32
      %add3A_658 = arith.addi %mul3A_20, %add3A_657 : i32
      %get3A_659 = arith.index_cast %add3A_658 : i32 to index
      %get3A_660 = tpu.vector_load %arg6[%get3A_659] {strides = array<i32>} : memref<8192xf32, #tpu.memory_space<vmem>>, vector<16xf32>,
      %get3A_661 = vector.shape_cast %get3A_660 : vector<16xf32> to vector<16xf32>
      %add3A_662 = arith.constant 96 : i32
      %add3A_663 = arith.addi %mul3A_20, %add3A_662 : i32
      %get3A_664 = arith.index_cast %add3A_663 : i32 to index
      %get3A_665 = tpu.vector_load %arg7[%get3A_664] {strides = array<i32>} : memref<8192xi32, #tpu.memory_space<vmem>>, vector<16xi32>,
      %get3A_666 = vector.shape_cast %get3A_665 : vector<16xi32> to vector<16xi32>
      %and3A_667 = arith.constant 7 : i32
      %and3A_668 = vector.broadcast %and3A_667 : i32 to vector<16xi32>
      %and3A_669 = arith.andi %iota3A, %and3A_668 : vector<16xi32>
      %and3A_670 = arith.constant -8 : i32
      %and3A_671 = vector.broadcast %and3A_670 : i32 to vector<16xi32>
      %and3A_672 = arith.andi %iota3A, %and3A_671 : vector<16xi32>
      %xor3A_673 = arith.constant 7 : i32
      %xor3A_674 = vector.broadcast %xor3A_673 : i32 to vector<16xi32>
      %xor3A_675 = arith.xori %and3A_669, %xor3A_674 : vector<16xi32>
      %or3A_676 = arith.ori %and3A_672, %xor3A_675 : vector<16xi32>
      %broadcast_in_dim3A_677 = vector.shape_cast %or3A_676 : vector<16xi32> to vector<16x1xi32>
      %gather3A_678 = vector.shape_cast %broadcast_in_dim3A_677 : vector<16x1xi32> to vector<16xi32>
      %gather3A_679 = tpu.dynamic_gather %get3A_661[%gather3A_678] in [0] : vector<16xf32>, vector<16xi32> -> vector<16xf32>
      %broadcast_in_dim3A_680 = vector.shape_cast %or3A_676 : vector<16xi32> to vector<16x1xi32>
      %gather3A_681 = vector.shape_cast %broadcast_in_dim3A_680 : vector<16x1xi32> to vector<16xi32>
      %gather3A_682 = tpu.dynamic_gather %get3A_666[%gather3A_681] in [0] : vector<16xi32>, vector<16xi32> -> vector<16xi32>
      %gt3A_683 = arith.cmpf ogt, %get3A_661, %gather3A_679 : vector<16xf32>
      %eq3A_684 = arith.cmpf oeq, %get3A_661, %gather3A_679 : vector<16xf32>
      %lt3A_685 = arith.cmpi slt, %get3A_666, %gather3A_682 : vector<16xi32>
      %and3A_686 = arith.andi %eq3A_684, %lt3A_685 : vector<16xi1>
      %or3A_687 = arith.ori %gt3A_683, %and3A_686 : vector<16xi1>
      %gt3A_688 = arith.cmpi sgt, %iota3A, %or3A_676 : vector<16xi32>
      %ne3A_689 = arith.xori %or3A_687, %gt3A_688 : vector<16xi1>
      %select_n3A_690 = arith.select %ne3A_689, %get3A_661, %gather3A_679 : vector<16xi1>, vector<16xf32>
      %select_n3A_691 = arith.select %ne3A_689, %get3A_666, %gather3A_682 : vector<16xi1>, vector<16xi32>
      %and3A_692 = arith.constant -8 : i32
      %and3A_693 = vector.broadcast %and3A_692 : i32 to vector<16xi32>
      %and3A_694 = arith.andi %iota3A, %and3A_693 : vector<16xi32>
      %xor3A_695 = arith.constant 2 : i32
      %xor3A_696 = vector.broadcast %xor3A_695 : i32 to vector<16xi32>
      %xor3A_697 = arith.xori %and3A_669, %xor3A_696 : vector<16xi32>
      %or3A_698 = arith.ori %and3A_694, %xor3A_697 : vector<16xi32>
      %broadcast_in_dim3A_699 = vector.shape_cast %or3A_698 : vector<16xi32> to vector<16x1xi32>
      %gather3A_700 = vector.shape_cast %broadcast_in_dim3A_699 : vector<16x1xi32> to vector<16xi32>
      %gather3A_701 = tpu.dynamic_gather %select_n3A_690[%gather3A_700] in [0] : vector<16xf32>, vector<16xi32> -> vector<16xf32>
      %broadcast_in_dim3A_702 = vector.shape_cast %or3A_698 : vector<16xi32> to vector<16x1xi32>
      %gather3A_703 = vector.shape_cast %broadcast_in_dim3A_702 : vector<16x1xi32> to vector<16xi32>
      %gather3A_704 = tpu.dynamic_gather %select_n3A_691[%gather3A_703] in [0] : vector<16xi32>, vector<16xi32> -> vector<16xi32>
      %gt3A_705 = arith.cmpf ogt, %select_n3A_690, %gather3A_701 : vector<16xf32>
      %eq3A_706 = arith.cmpf oeq, %select_n3A_690, %gather3A_701 : vector<16xf32>
      %lt3A_707 = arith.cmpi slt, %select_n3A_691, %gather3A_704 : vector<16xi32>
      %and3A_708 = arith.andi %eq3A_706, %lt3A_707 : vector<16xi1>
      %or3A_709 = arith.ori %gt3A_705, %and3A_708 : vector<16xi1>
      %gt3A_710 = arith.cmpi sgt, %iota3A, %or3A_698 : vector<16xi32>
      %ne3A_711 = arith.xori %or3A_709, %gt3A_710 : vector<16xi1>
      %select_n3A_712 = arith.select %ne3A_711, %select_n3A_690, %gather3A_701 : vector<16xi1>, vector<16xf32>
      %select_n3A_713 = arith.select %ne3A_711, %select_n3A_691, %gather3A_704 : vector<16xi1>, vector<16xi32>
      %and3A_714 = arith.constant -8 : i32
      %and3A_715 = vector.broadcast %and3A_714 : i32 to vector<16xi32>
      %and3A_716 = arith.andi %iota3A, %and3A_715 : vector<16xi32>
      %xor3A_717 = arith.constant 1 : i32
      %xor3A_718 = vector.broadcast %xor3A_717 : i32 to vector<16xi32>
      %xor3A_719 = arith.xori %and3A_669, %xor3A_718 : vector<16xi32>
      %or3A_720 = arith.ori %and3A_716, %xor3A_719 : vector<16xi32>
      %broadcast_in_dim3A_721 = vector.shape_cast %or3A_720 : vector<16xi32> to vector<16x1xi32>
      %gather3A_722 = vector.shape_cast %broadcast_in_dim3A_721 : vector<16x1xi32> to vector<16xi32>
      %gather3A_723 = tpu.dynamic_gather %select_n3A_712[%gather3A_722] in [0] : vector<16xf32>, vector<16xi32> -> vector<16xf32>
      %broadcast_in_dim3A_724 = vector.shape_cast %or3A_720 : vector<16xi32> to vector<16x1xi32>
      %gather3A_725 = vector.shape_cast %broadcast_in_dim3A_724 : vector<16x1xi32> to vector<16xi32>
      %gather3A_726 = tpu.dynamic_gather %select_n3A_713[%gather3A_725] in [0] : vector<16xi32>, vector<16xi32> -> vector<16xi32>
      %gt3A_727 = arith.cmpf ogt, %select_n3A_712, %gather3A_723 : vector<16xf32>
      %eq3A_728 = arith.cmpf oeq, %select_n3A_712, %gather3A_723 : vector<16xf32>
      %lt3A_729 = arith.cmpi slt, %select_n3A_713, %gather3A_726 : vector<16xi32>
      %and3A_730 = arith.andi %eq3A_728, %lt3A_729 : vector<16xi1>
      %or3A_731 = arith.ori %gt3A_727, %and3A_730 : vector<16xi1>
      %gt3A_732 = arith.cmpi sgt, %iota3A, %or3A_720 : vector<16xi32>
      %ne3A_733 = arith.xori %or3A_731, %gt3A_732 : vector<16xi1>
      %select_n3A_734 = arith.select %ne3A_733, %select_n3A_712, %gather3A_723 : vector<16xi1>, vector<16xf32>
      %select_n3A_735 = arith.select %ne3A_733, %select_n3A_713, %gather3A_726 : vector<16xi1>, vector<16xi32>
      %and3A_736 = arith.constant 8 : i32
      %and3A_737 = vector.broadcast %and3A_736 : i32 to vector<16xi32>
      %and3A_738 = arith.andi %iota3A, %and3A_737 : vector<16xi32>
      %broadcast_in_dim3A_739 = vector.shape_cast %and3A_738 : vector<16xi32> to vector<16x1xi32>
      %gather3A_740 = vector.shape_cast %broadcast_in_dim3A_739 : vector<16x1xi32> to vector<16xi32>
      %gather3A_741 = tpu.dynamic_gather %select_n3A_734[%gather3A_740] in [0] : vector<16xf32>, vector<16xi32> -> vector<16xf32>
      %sub3A_742 = arith.subf %select_n3A_734, %gather3A_741 : vector<16xf32>
      %exp3A_743 = math.exp %sub3A_742 : vector<16xf32>
      %xor3A_744 = arith.constant 1 : i32
      %xor3A_745 = vector.broadcast %xor3A_744 : i32 to vector<16xi32>
      %xor3A_746 = arith.xori %iota3A, %xor3A_745 : vector<16xi32>
      %broadcast_in_dim3A_747 = vector.shape_cast %xor3A_746 : vector<16xi32> to vector<16x1xi32>
      %gather3A_748 = vector.shape_cast %broadcast_in_dim3A_747 : vector<16x1xi32> to vector<16xi32>
      %gather3A_749 = tpu.dynamic_gather %exp3A_743[%gather3A_748] in [0] : vector<16xf32>, vector<16xi32> -> vector<16xf32>
      %add3A_750 = arith.addf %exp3A_743, %gather3A_749 : vector<16xf32>
      %xor3A_751 = arith.constant 2 : i32
      %xor3A_752 = vector.broadcast %xor3A_751 : i32 to vector<16xi32>
      %xor3A_753 = arith.xori %iota3A, %xor3A_752 : vector<16xi32>
      %broadcast_in_dim3A_754 = vector.shape_cast %xor3A_753 : vector<16xi32> to vector<16x1xi32>
      %gather3A_755 = vector.shape_cast %broadcast_in_dim3A_754 : vector<16x1xi32> to vector<16xi32>
      %gather3A_756 = tpu.dynamic_gather %add3A_750[%gather3A_755] in [0] : vector<16xf32>, vector<16xi32> -> vector<16xf32>
      %add3A_757 = arith.addf %add3A_750, %gather3A_756 : vector<16xf32>
      %div3A_758 = arith.divf %exp3A_743, %add3A_757 : vector<16xf32>
      %broadcast_in_dim3A_759 = vector.shape_cast %add3A_8 : vector<16xi32> to vector<16x1xi32>
      %gather3A_760 = vector.shape_cast %broadcast_in_dim3A_759 : vector<16x1xi32> to vector<16xi32>
      %gather3A_761 = tpu.dynamic_gather %div3A_758[%gather3A_760] in [0] : vector<16xf32>, vector<16xi32> -> vector<16xf32>
      %broadcast_in_dim3A_762 = vector.shape_cast %add3A_8 : vector<16xi32> to vector<16x1xi32>
      %gather3A_763 = vector.shape_cast %broadcast_in_dim3A_762 : vector<16x1xi32> to vector<16xi32>
      %gather3A_764 = tpu.dynamic_gather %select_n3A_735[%gather3A_763] in [0] : vector<16xi32>, vector<16xi32> -> vector<16xi32>
      %add3A_765 = arith.constant 112 : i32
      %add3A_766 = arith.addi %mul3A_20, %add3A_765 : i32
      %get3A_767 = arith.index_cast %add3A_766 : i32 to index
      %get3A_768 = tpu.vector_load %arg6[%get3A_767] {strides = array<i32>} : memref<8192xf32, #tpu.memory_space<vmem>>, vector<16xf32>,
      %get3A_769 = vector.shape_cast %get3A_768 : vector<16xf32> to vector<16xf32>
      %add3A_770 = arith.constant 112 : i32
      %add3A_771 = arith.addi %mul3A_20, %add3A_770 : i32
      %get3A_772 = arith.index_cast %add3A_771 : i32 to index
      %get3A_773 = tpu.vector_load %arg7[%get3A_772] {strides = array<i32>} : memref<8192xi32, #tpu.memory_space<vmem>>, vector<16xi32>,
      %get3A_774 = vector.shape_cast %get3A_773 : vector<16xi32> to vector<16xi32>
      %and3A_775 = arith.constant 7 : i32
      %and3A_776 = vector.broadcast %and3A_775 : i32 to vector<16xi32>
      %and3A_777 = arith.andi %iota3A, %and3A_776 : vector<16xi32>
      %and3A_778 = arith.constant -8 : i32
      %and3A_779 = vector.broadcast %and3A_778 : i32 to vector<16xi32>
      %and3A_780 = arith.andi %iota3A, %and3A_779 : vector<16xi32>
      %xor3A_781 = arith.constant 7 : i32
      %xor3A_782 = vector.broadcast %xor3A_781 : i32 to vector<16xi32>
      %xor3A_783 = arith.xori %and3A_777, %xor3A_782 : vector<16xi32>
      %or3A_784 = arith.ori %and3A_780, %xor3A_783 : vector<16xi32>
      %broadcast_in_dim3A_785 = vector.shape_cast %or3A_784 : vector<16xi32> to vector<16x1xi32>
      %gather3A_786 = vector.shape_cast %broadcast_in_dim3A_785 : vector<16x1xi32> to vector<16xi32>
      %gather3A_787 = tpu.dynamic_gather %get3A_769[%gather3A_786] in [0] : vector<16xf32>, vector<16xi32> -> vector<16xf32>
      %broadcast_in_dim3A_788 = vector.shape_cast %or3A_784 : vector<16xi32> to vector<16x1xi32>
      %gather3A_789 = vector.shape_cast %broadcast_in_dim3A_788 : vector<16x1xi32> to vector<16xi32>
      %gather3A_790 = tpu.dynamic_gather %get3A_774[%gather3A_789] in [0] : vector<16xi32>, vector<16xi32> -> vector<16xi32>
      %gt3A_791 = arith.cmpf ogt, %get3A_769, %gather3A_787 : vector<16xf32>
      %eq3A_792 = arith.cmpf oeq, %get3A_769, %gather3A_787 : vector<16xf32>
      %lt3A_793 = arith.cmpi slt, %get3A_774, %gather3A_790 : vector<16xi32>
      %and3A_794 = arith.andi %eq3A_792, %lt3A_793 : vector<16xi1>
      %or3A_795 = arith.ori %gt3A_791, %and3A_794 : vector<16xi1>
      %gt3A_796 = arith.cmpi sgt, %iota3A, %or3A_784 : vector<16xi32>
      %ne3A_797 = arith.xori %or3A_795, %gt3A_796 : vector<16xi1>
      %select_n3A_798 = arith.select %ne3A_797, %get3A_769, %gather3A_787 : vector<16xi1>, vector<16xf32>
      %select_n3A_799 = arith.select %ne3A_797, %get3A_774, %gather3A_790 : vector<16xi1>, vector<16xi32>
      %and3A_800 = arith.constant -8 : i32
      %and3A_801 = vector.broadcast %and3A_800 : i32 to vector<16xi32>
      %and3A_802 = arith.andi %iota3A, %and3A_801 : vector<16xi32>
      %xor3A_803 = arith.constant 2 : i32
      %xor3A_804 = vector.broadcast %xor3A_803 : i32 to vector<16xi32>
      %xor3A_805 = arith.xori %and3A_777, %xor3A_804 : vector<16xi32>
      %or3A_806 = arith.ori %and3A_802, %xor3A_805 : vector<16xi32>
      %broadcast_in_dim3A_807 = vector.shape_cast %or3A_806 : vector<16xi32> to vector<16x1xi32>
      %gather3A_808 = vector.shape_cast %broadcast_in_dim3A_807 : vector<16x1xi32> to vector<16xi32>
      %gather3A_809 = tpu.dynamic_gather %select_n3A_798[%gather3A_808] in [0] : vector<16xf32>, vector<16xi32> -> vector<16xf32>
      %broadcast_in_dim3A_810 = vector.shape_cast %or3A_806 : vector<16xi32> to vector<16x1xi32>
      %gather3A_811 = vector.shape_cast %broadcast_in_dim3A_810 : vector<16x1xi32> to vector<16xi32>
      %gather3A_812 = tpu.dynamic_gather %select_n3A_799[%gather3A_811] in [0] : vector<16xi32>, vector<16xi32> -> vector<16xi32>
      %gt3A_813 = arith.cmpf ogt, %select_n3A_798, %gather3A_809 : vector<16xf32>
      %eq3A_814 = arith.cmpf oeq, %select_n3A_798, %gather3A_809 : vector<16xf32>
      %lt3A_815 = arith.cmpi slt, %select_n3A_799, %gather3A_812 : vector<16xi32>
      %and3A_816 = arith.andi %eq3A_814, %lt3A_815 : vector<16xi1>
      %or3A_817 = arith.ori %gt3A_813, %and3A_816 : vector<16xi1>
      %gt3A_818 = arith.cmpi sgt, %iota3A, %or3A_806 : vector<16xi32>
      %ne3A_819 = arith.xori %or3A_817, %gt3A_818 : vector<16xi1>
      %select_n3A_820 = arith.select %ne3A_819, %select_n3A_798, %gather3A_809 : vector<16xi1>, vector<16xf32>
      %select_n3A_821 = arith.select %ne3A_819, %select_n3A_799, %gather3A_812 : vector<16xi1>, vector<16xi32>
      %and3A_822 = arith.constant -8 : i32
      %and3A_823 = vector.broadcast %and3A_822 : i32 to vector<16xi32>
      %and3A_824 = arith.andi %iota3A, %and3A_823 : vector<16xi32>
      %xor3A_825 = arith.constant 1 : i32
      %xor3A_826 = vector.broadcast %xor3A_825 : i32 to vector<16xi32>
      %xor3A_827 = arith.xori %and3A_777, %xor3A_826 : vector<16xi32>
      %or3A_828 = arith.ori %and3A_824, %xor3A_827 : vector<16xi32>
      %broadcast_in_dim3A_829 = vector.shape_cast %or3A_828 : vector<16xi32> to vector<16x1xi32>
      %gather3A_830 = vector.shape_cast %broadcast_in_dim3A_829 : vector<16x1xi32> to vector<16xi32>
      %gather3A_831 = tpu.dynamic_gather %select_n3A_820[%gather3A_830] in [0] : vector<16xf32>, vector<16xi32> -> vector<16xf32>
      %broadcast_in_dim3A_832 = vector.shape_cast %or3A_828 : vector<16xi32> to vector<16x1xi32>
      %gather3A_833 = vector.shape_cast %broadcast_in_dim3A_832 : vector<16x1xi32> to vector<16xi32>
      %gather3A_834 = tpu.dynamic_gather %select_n3A_821[%gather3A_833] in [0] : vector<16xi32>, vector<16xi32> -> vector<16xi32>
      %gt3A_835 = arith.cmpf ogt, %select_n3A_820, %gather3A_831 : vector<16xf32>
      %eq3A_836 = arith.cmpf oeq, %select_n3A_820, %gather3A_831 : vector<16xf32>
      %lt3A_837 = arith.cmpi slt, %select_n3A_821, %gather3A_834 : vector<16xi32>
      %and3A_838 = arith.andi %eq3A_836, %lt3A_837 : vector<16xi1>
      %or3A_839 = arith.ori %gt3A_835, %and3A_838 : vector<16xi1>
      %gt3A_840 = arith.cmpi sgt, %iota3A, %or3A_828 : vector<16xi32>
      %ne3A_841 = arith.xori %or3A_839, %gt3A_840 : vector<16xi1>
      %select_n3A_842 = arith.select %ne3A_841, %select_n3A_820, %gather3A_831 : vector<16xi1>, vector<16xf32>
      %select_n3A_843 = arith.select %ne3A_841, %select_n3A_821, %gather3A_834 : vector<16xi1>, vector<16xi32>
      %and3A_844 = arith.constant 8 : i32
      %and3A_845 = vector.broadcast %and3A_844 : i32 to vector<16xi32>
      %and3A_846 = arith.andi %iota3A, %and3A_845 : vector<16xi32>
      %broadcast_in_dim3A_847 = vector.shape_cast %and3A_846 : vector<16xi32> to vector<16x1xi32>
      %gather3A_848 = vector.shape_cast %broadcast_in_dim3A_847 : vector<16x1xi32> to vector<16xi32>
      %gather3A_849 = tpu.dynamic_gather %select_n3A_842[%gather3A_848] in [0] : vector<16xf32>, vector<16xi32> -> vector<16xf32>
      %sub3A_850 = arith.subf %select_n3A_842, %gather3A_849 : vector<16xf32>
      %exp3A_851 = math.exp %sub3A_850 : vector<16xf32>
      %xor3A_852 = arith.constant 1 : i32
      %xor3A_853 = vector.broadcast %xor3A_852 : i32 to vector<16xi32>
      %xor3A_854 = arith.xori %iota3A, %xor3A_853 : vector<16xi32>
      %broadcast_in_dim3A_855 = vector.shape_cast %xor3A_854 : vector<16xi32> to vector<16x1xi32>
      %gather3A_856 = vector.shape_cast %broadcast_in_dim3A_855 : vector<16x1xi32> to vector<16xi32>
      %gather3A_857 = tpu.dynamic_gather %exp3A_851[%gather3A_856] in [0] : vector<16xf32>, vector<16xi32> -> vector<16xf32>
      %add3A_858 = arith.addf %exp3A_851, %gather3A_857 : vector<16xf32>
      %xor3A_859 = arith.constant 2 : i32
      %xor3A_860 = vector.broadcast %xor3A_859 : i32 to vector<16xi32>
      %xor3A_861 = arith.xori %iota3A, %xor3A_860 : vector<16xi32>
      %broadcast_in_dim3A_862 = vector.shape_cast %xor3A_861 : vector<16xi32> to vector<16x1xi32>
      %gather3A_863 = vector.shape_cast %broadcast_in_dim3A_862 : vector<16x1xi32> to vector<16xi32>
      %gather3A_864 = tpu.dynamic_gather %add3A_858[%gather3A_863] in [0] : vector<16xf32>, vector<16xi32> -> vector<16xf32>
      %add3A_865 = arith.addf %add3A_858, %gather3A_864 : vector<16xf32>
      %div3A_866 = arith.divf %exp3A_851, %add3A_865 : vector<16xf32>
      %broadcast_in_dim3A_867 = vector.shape_cast %add3A_8 : vector<16xi32> to vector<16x1xi32>
      %gather3A_868 = vector.shape_cast %broadcast_in_dim3A_867 : vector<16x1xi32> to vector<16xi32>
      %gather3A_869 = tpu.dynamic_gather %div3A_866[%gather3A_868] in [0] : vector<16xf32>, vector<16xi32> -> vector<16xf32>
      %broadcast_in_dim3A_870 = vector.shape_cast %add3A_8 : vector<16xi32> to vector<16x1xi32>
      %gather3A_871 = vector.shape_cast %broadcast_in_dim3A_870 : vector<16x1xi32> to vector<16xi32>
      %gather3A_872 = tpu.dynamic_gather %select_n3A_843[%gather3A_871] in [0] : vector<16xi32>, vector<16xi32> -> vector<16xi32>
      %select_n3A_873 = arith.select %lt3A_10, %gather3A_113, %gather3A_221 : vector<16xi1>, vector<16xf32>
      %mul3A_874 = arith.constant 64 : i32
      %mul3A_875 = arith.muli %scan3A_17, %mul3A_874 : i32
      %add3A_876 = arith.constant 0 : i32
      %add3A_877 = arith.addi %mul3A_875, %add3A_876 : i32
      %swap3A = arith.index_cast %add3A_877 : i32 to index
      %swap3A_878 = tpu.vector_load %arg8[%swap3A] {strides = array<i32>} : memref<4096xf32, #tpu.memory_space<vmem>>, vector<16xf32>,
      %swap3A_879 = vector.shape_cast %swap3A_878 : vector<16xf32> to vector<16xf32>
      %swap3A_880 = vector.shape_cast %select_n3A_873 : vector<16xf32> to vector<16xf32>
      tpu.vector_store %arg8[%swap3A], %swap3A_880 {strides = array<i32>} : memref<4096xf32, #tpu.memory_space<vmem>>, vector<16xf32>,
      %select_n3A_881 = arith.select %lt3A_10, %gather3A_116, %gather3A_224 : vector<16xi1>, vector<16xi32>
      %mul3A_882 = arith.constant 64 : i32
      %mul3A_883 = arith.muli %scan3A_17, %mul3A_882 : i32
      %add3A_884 = arith.constant 0 : i32
      %add3A_885 = arith.addi %mul3A_883, %add3A_884 : i32
      %swap3A_886 = arith.index_cast %add3A_885 : i32 to index
      %swap3A_887 = tpu.vector_load %arg9[%swap3A_886] {strides = array<i32>} : memref<4096xi32, #tpu.memory_space<vmem>>, vector<16xi32>,
      %swap3A_888 = vector.shape_cast %swap3A_887 : vector<16xi32> to vector<16xi32>
      %swap3A_889 = vector.shape_cast %select_n3A_881 : vector<16xi32> to vector<16xi32>
      tpu.vector_store %arg9[%swap3A_886], %swap3A_889 {strides = array<i32>} : memref<4096xi32, #tpu.memory_space<vmem>>, vector<16xi32>,
      %select_n3A_890 = arith.select %lt3A_10, %gather3A_329, %gather3A_437 : vector<16xi1>, vector<16xf32>
      %mul3A_891 = arith.constant 64 : i32
      %mul3A_892 = arith.muli %scan3A_17, %mul3A_891 : i32
      %add3A_893 = arith.constant 16 : i32
      %add3A_894 = arith.addi %mul3A_892, %add3A_893 : i32
      %swap3A_895 = arith.index_cast %add3A_894 : i32 to index
      %swap3A_896 = tpu.vector_load %arg8[%swap3A_895] {strides = array<i32>} : memref<4096xf32, #tpu.memory_space<vmem>>, vector<16xf32>,
      %swap3A_897 = vector.shape_cast %swap3A_896 : vector<16xf32> to vector<16xf32>
      %swap3A_898 = vector.shape_cast %select_n3A_890 : vector<16xf32> to vector<16xf32>
      tpu.vector_store %arg8[%swap3A_895], %swap3A_898 {strides = array<i32>} : memref<4096xf32, #tpu.memory_space<vmem>>, vector<16xf32>,
      %select_n3A_899 = arith.select %lt3A_10, %gather3A_332, %gather3A_440 : vector<16xi1>, vector<16xi32>
      %mul3A_900 = arith.constant 64 : i32
      %mul3A_901 = arith.muli %scan3A_17, %mul3A_900 : i32
      %add3A_902 = arith.constant 16 : i32
      %add3A_903 = arith.addi %mul3A_901, %add3A_902 : i32
      %swap3A_904 = arith.index_cast %add3A_903 : i32 to index
      %swap3A_905 = tpu.vector_load %arg9[%swap3A_904] {strides = array<i32>} : memref<4096xi32, #tpu.memory_space<vmem>>, vector<16xi32>,
      %swap3A_906 = vector.shape_cast %swap3A_905 : vector<16xi32> to vector<16xi32>
      %swap3A_907 = vector.shape_cast %select_n3A_899 : vector<16xi32> to vector<16xi32>
      tpu.vector_store %arg9[%swap3A_904], %swap3A_907 {strides = array<i32>} : memref<4096xi32, #tpu.memory_space<vmem>>, vector<16xi32>,
      %select_n3A_908 = arith.select %lt3A_10, %gather3A_545, %gather3A_653 : vector<16xi1>, vector<16xf32>
      %mul3A_909 = arith.constant 64 : i32
      %mul3A_910 = arith.muli %scan3A_17, %mul3A_909 : i32
      %add3A_911 = arith.constant 32 : i32
      %add3A_912 = arith.addi %mul3A_910, %add3A_911 : i32
      %swap3A_913 = arith.index_cast %add3A_912 : i32 to index
      %swap3A_914 = tpu.vector_load %arg8[%swap3A_913] {strides = array<i32>} : memref<4096xf32, #tpu.memory_space<vmem>>, vector<16xf32>,
      %swap3A_915 = vector.shape_cast %swap3A_914 : vector<16xf32> to vector<16xf32>
      %swap3A_916 = vector.shape_cast %select_n3A_908 : vector<16xf32> to vector<16xf32>
      tpu.vector_store %arg8[%swap3A_913], %swap3A_916 {strides = array<i32>} : memref<4096xf32, #tpu.memory_space<vmem>>, vector<16xf32>,
      %select_n3A_917 = arith.select %lt3A_10, %gather3A_548, %gather3A_656 : vector<16xi1>, vector<16xi32>
      %mul3A_918 = arith.constant 64 : i32
      %mul3A_919 = arith.muli %scan3A_17, %mul3A_918 : i32
      %add3A_920 = arith.constant 32 : i32
      %add3A_921 = arith.addi %mul3A_919, %add3A_920 : i32
      %swap3A_922 = arith.index_cast %add3A_921 : i32 to index
      %swap3A_923 = tpu.vector_load %arg9[%swap3A_922] {strides = array<i32>} : memref<4096xi32, #tpu.memory_space<vmem>>, vector<16xi32>,
      %swap3A_924 = vector.shape_cast %swap3A_923 : vector<16xi32> to vector<16xi32>
      %swap3A_925 = vector.shape_cast %select_n3A_917 : vector<16xi32> to vector<16xi32>
      tpu.vector_store %arg9[%swap3A_922], %swap3A_925 {strides = array<i32>} : memref<4096xi32, #tpu.memory_space<vmem>>, vector<16xi32>,
      %select_n3A_926 = arith.select %lt3A_10, %gather3A_761, %gather3A_869 : vector<16xi1>, vector<16xf32>
      %mul3A_927 = arith.constant 64 : i32
      %mul3A_928 = arith.muli %scan3A_17, %mul3A_927 : i32
      %add3A_929 = arith.constant 48 : i32
      %add3A_930 = arith.addi %mul3A_928, %add3A_929 : i32
      %swap3A_931 = arith.index_cast %add3A_930 : i32 to index
      %swap3A_932 = tpu.vector_load %arg8[%swap3A_931] {strides = array<i32>} : memref<4096xf32, #tpu.memory_space<vmem>>, vector<16xf32>,
      %swap3A_933 = vector.shape_cast %swap3A_932 : vector<16xf32> to vector<16xf32>
      %swap3A_934 = vector.shape_cast %select_n3A_926 : vector<16xf32> to vector<16xf32>
      tpu.vector_store %arg8[%swap3A_931], %swap3A_934 {strides = array<i32>} : memref<4096xf32, #tpu.memory_space<vmem>>, vector<16xf32>,
      %select_n3A_935 = arith.select %lt3A_10, %gather3A_764, %gather3A_872 : vector<16xi1>, vector<16xi32>
      %mul3A_936 = arith.constant 64 : i32
      %mul3A_937 = arith.muli %scan3A_17, %mul3A_936 : i32
      %add3A_938 = arith.constant 48 : i32
      %add3A_939 = arith.addi %mul3A_937, %add3A_938 : i32
      %swap3A_940 = arith.index_cast %add3A_939 : i32 to index
      %swap3A_941 = tpu.vector_load %arg9[%swap3A_940] {strides = array<i32>} : memref<4096xi32, #tpu.memory_space<vmem>>, vector<16xi32>,
      %swap3A_942 = vector.shape_cast %swap3A_941 : vector<16xi32> to vector<16xi32>
      %swap3A_943 = vector.shape_cast %select_n3A_935 : vector<16xi32> to vector<16xi32>
      tpu.vector_store %arg9[%swap3A_940], %swap3A_943 {strides = array<i32>} : memref<4096xi32, #tpu.memory_space<vmem>>, vector<16xi32>,
      %scan3A_944 = arith.constant 0 : i32
      scf.yield %scan3A_944 : i32
    }
    %scan3A_16 = arith.constant 64 : i32
    "tpu.region"() ({
      %run_scoped3A = tpu.sem_alloc : memref<!tpu.dma_semaphore, #tpu.memory_space<semaphore_mem>>
      %dma_start3A = arith.constant 0 : i32
      %dma_start3A_17 = tpu.memref_slice %arg4[%add3A, %dma_start3A] : memref<32x4096xf32, #tpu.memory_space<hbm>> -> memref<1x4096xf32, #tpu.memory_space<hbm>>
      %dma_start3A_18 = tpu.memref_squeeze %dma_start3A_17 : memref<1x4096xf32, #tpu.memory_space<hbm>> -> memref<4096xf32, #tpu.memory_space<hbm>>
      %dma_start3A_19 = arith.constant 0 : i32
      %dma_start3A_20 = tpu.memref_slice %arg4[%add3A, %dma_start3A_19] : memref<32x4096xf32, #tpu.memory_space<hbm>> -> memref<1x4096xf32, #tpu.memory_space<hbm>>
      %dma_start3A_21 = tpu.memref_squeeze %dma_start3A_20 : memref<1x4096xf32, #tpu.memory_space<hbm>> -> memref<4096xf32, #tpu.memory_space<hbm>>
      tpu.enqueue_dma source(%arg8 : memref<4096xf32, #tpu.memory_space<vmem>>) target(%dma_start3A_21 : memref<4096xf32, #tpu.memory_space<hbm>>) target_semaphore(%run_scoped3A : memref<!tpu.dma_semaphore, #tpu.memory_space<semaphore_mem>>)
      %dma_wait3A = arith.constant 0 : i32
      %dma_wait3A_22 = tpu.memref_slice %arg4[%add3A, %dma_wait3A] : memref<32x4096xf32, #tpu.memory_space<hbm>> -> memref<1x4096xf32, #tpu.memory_space<hbm>>
      %dma_wait3A_23 = tpu.memref_squeeze %dma_wait3A_22 : memref<1x4096xf32, #tpu.memory_space<hbm>> -> memref<4096xf32, #tpu.memory_space<hbm>>
      %dma_wait3A_24 = arith.constant 0 : i32
      %dma_wait3A_25 = tpu.memref_slice %arg4[%add3A, %dma_wait3A_24] : memref<32x4096xf32, #tpu.memory_space<hbm>> -> memref<1x4096xf32, #tpu.memory_space<hbm>>
      %dma_wait3A_26 = tpu.memref_squeeze %dma_wait3A_25 : memref<1x4096xf32, #tpu.memory_space<hbm>> -> memref<4096xf32, #tpu.memory_space<hbm>>
      tpu.wait_dma2 semaphore(%run_scoped3A : memref<!tpu.dma_semaphore, #tpu.memory_space<semaphore_mem>>) src(%arg8 : memref<4096xf32, #tpu.memory_space<vmem>>) dst(%dma_wait3A_26 : memref<4096xf32, #tpu.memory_space<hbm>>)
      tpu.yield
    }) : () -> ()
    "tpu.region"() ({
      %run_scoped3A = tpu.sem_alloc : memref<!tpu.dma_semaphore, #tpu.memory_space<semaphore_mem>>
      %dma_start3A = arith.constant 0 : i32
      %dma_start3A_17 = tpu.memref_slice %arg5[%add3A, %dma_start3A] : memref<32x4096xi32, #tpu.memory_space<hbm>> -> memref<1x4096xi32, #tpu.memory_space<hbm>>
      %dma_start3A_18 = tpu.memref_squeeze %dma_start3A_17 : memref<1x4096xi32, #tpu.memory_space<hbm>> -> memref<4096xi32, #tpu.memory_space<hbm>>
      %dma_start3A_19 = arith.constant 0 : i32
      %dma_start3A_20 = tpu.memref_slice %arg5[%add3A, %dma_start3A_19] : memref<32x4096xi32, #tpu.memory_space<hbm>> -> memref<1x4096xi32, #tpu.memory_space<hbm>>
      %dma_start3A_21 = tpu.memref_squeeze %dma_start3A_20 : memref<1x4096xi32, #tpu.memory_space<hbm>> -> memref<4096xi32, #tpu.memory_space<hbm>>
      tpu.enqueue_dma source(%arg9 : memref<4096xi32, #tpu.memory_space<vmem>>) target(%dma_start3A_21 : memref<4096xi32, #tpu.memory_space<hbm>>) target_semaphore(%run_scoped3A : memref<!tpu.dma_semaphore, #tpu.memory_space<semaphore_mem>>)
      %dma_wait3A = arith.constant 0 : i32
      %dma_wait3A_22 = tpu.memref_slice %arg5[%add3A, %dma_wait3A] : memref<32x4096xi32, #tpu.memory_space<hbm>> -> memref<1x4096xi32, #tpu.memory_space<hbm>>
      %dma_wait3A_23 = tpu.memref_squeeze %dma_wait3A_22 : memref<1x4096xi32, #tpu.memory_space<hbm>> -> memref<4096xi32, #tpu.memory_space<hbm>>
      %dma_wait3A_24 = arith.constant 0 : i32
      %dma_wait3A_25 = tpu.memref_slice %arg5[%add3A, %dma_wait3A_24] : memref<32x4096xi32, #tpu.memory_space<hbm>> -> memref<1x4096xi32, #tpu.memory_space<hbm>>
      %dma_wait3A_26 = tpu.memref_squeeze %dma_wait3A_25 : memref<1x4096xi32, #tpu.memory_space<hbm>> -> memref<4096xi32, #tpu.memory_space<hbm>>
      tpu.wait_dma2 semaphore(%run_scoped3A : memref<!tpu.dma_semaphore, #tpu.memory_space<semaphore_mem>>) src(%arg9 : memref<4096xi32, #tpu.memory_space<vmem>>) dst(%dma_wait3A_26 : memref<4096xi32, #tpu.memory_space<hbm>>)
      tpu.yield
    }) : () -> ()
    return
  }
}

module attributes {stable_mosaic.version = 14 : i64} {
  func.func @_tc_body(%arg0: i32, %arg1: memref<1x1024x96xf32, #tpu.memory_space<vmem>>, %arg2: memref<96x96xf32, #tpu.memory_space<vmem>>, %arg3: memref<1x96xf32, #tpu.memory_space<vmem>>, %arg4: memref<96x96xf32, #tpu.memory_space<vmem>>, %arg5: memref<1x96xf32, #tpu.memory_space<vmem>>, %arg6: memref<1x1024x8xf32, #tpu.memory_space<vmem>>, %arg7: memref<1x1024x8xi32, #tpu.memory_space<vmem>>) attributes {dimension_semantics = [#tpu.dimension_semantics<arbitrary>], iteration_bounds = array<i64: 32>, scalar_prefetch = 0 : i64, scratch_operands = 0 : i64, tpu.core_type = #tpu.core_type<tc>, window_params = [{transform_indices = @transform_0, window_bounds = array<i64: 1, 1024, 96>}, {pipeline_mode = #tpu.pipeline_mode<synchronous>, transform_indices = @transform_1, window_bounds = array<i64: 96, 96>}, {pipeline_mode = #tpu.pipeline_mode<synchronous>, transform_indices = @transform_2, window_bounds = array<i64: 1, 96>}, {pipeline_mode = #tpu.pipeline_mode<synchronous>, transform_indices = @transform_3, window_bounds = array<i64: 96, 96>}, {pipeline_mode = #tpu.pipeline_mode<synchronous>, transform_indices = @transform_4, window_bounds = array<i64: 1, 96>}, {transform_indices = @transform_5, window_bounds = array<i64: 1, 1024, 8>}, {transform_indices = @transform_6, window_bounds = array<i64: 1, 1024, 8>}]} {
    %get3A = arith.constant 0 : index
    %get3A_0 = arith.constant 0 : index
    %get3A_1 = arith.constant 0 : index
    %get3A_2 = vector.load %arg1[%get3A, %get3A_0, %get3A_1] : memref<1x1024x96xf32, #tpu.memory_space<vmem>>, vector<1x1024x96xf32>
    %get3A_3 = vector.shape_cast %get3A_2 : vector<1x1024x96xf32> to vector<1024x96xf32>
    %get3A_4 = arith.constant 0 : index
    %get3A_5 = arith.constant 0 : index
    %get3A_6 = vector.load %arg2[%get3A_4, %get3A_5] : memref<96x96xf32, #tpu.memory_space<vmem>>, vector<96x96xf32>
    %dot_general3A = arith.constant dense<0.000000e+00> : vector<1024x96xf32>
    %dot_general3A_7 = tpu.matmul %get3A_3, %get3A_6, %dot_general3A {dimension_numbers = #tpu.dot_dimension_numbers<[1], [1], [0], [0], [0, 0, 1, 0], [], []>, transpose_lhs_hint = false} : vector<1024x96xf32>, vector<96x96xf32>, vector<1024x96xf32> -> vector<1024x96xf32>
    %get3A_8 = arith.constant 0 : index
    %get3A_9 = arith.constant 0 : index
    %get3A_10 = vector.load %arg3[%get3A_8, %get3A_9] : memref<1x96xf32, #tpu.memory_space<vmem>>, vector<1x96xf32>
    %get3A_11 = vector.shape_cast %get3A_10 : vector<1x96xf32> to vector<96xf32>
    %broadcast_in_dim3A = vector.shape_cast %get3A_11 : vector<96xf32> to vector<1x96xf32>
    %add3A = vector.broadcast %broadcast_in_dim3A : vector<1x96xf32> to vector<1024x96xf32>
    %add3A_12 = arith.addf %dot_general3A_7, %add3A : vector<1024x96xf32>
    %get3A_13 = arith.constant 0 : index
    %get3A_14 = arith.constant 0 : index
    %get3A_15 = vector.load %arg4[%get3A_13, %get3A_14] : memref<96x96xf32, #tpu.memory_space<vmem>>, vector<96x96xf32>
    %dot_general3A_16 = arith.constant dense<0.000000e+00> : vector<1024x96xf32>
    %dot_general3A_17 = tpu.matmul %get3A_3, %get3A_15, %dot_general3A_16 {dimension_numbers = #tpu.dot_dimension_numbers<[1], [1], [0], [0], [0, 0, 1, 0], [], []>, transpose_lhs_hint = false} : vector<1024x96xf32>, vector<96x96xf32>, vector<1024x96xf32> -> vector<1024x96xf32>
    %get3A_18 = arith.constant 0 : index
    %get3A_19 = arith.constant 0 : index
    %get3A_20 = vector.load %arg5[%get3A_18, %get3A_19] : memref<1x96xf32, #tpu.memory_space<vmem>>, vector<1x96xf32>
    %get3A_21 = vector.shape_cast %get3A_20 : vector<1x96xf32> to vector<96xf32>
    %broadcast_in_dim3A_22 = vector.shape_cast %get3A_21 : vector<96xf32> to vector<1x96xf32>
    %add3A_23 = vector.broadcast %broadcast_in_dim3A_22 : vector<1x96xf32> to vector<1024x96xf32>
    %add3A_24 = arith.addf %dot_general3A_17, %add3A_23 : vector<1024x96xf32>
    %mul3A = arith.constant 0.102062076 : f32
    %mul3A_25 = vector.broadcast %mul3A : f32 to vector<1024x96xf32>
    %mul3A_26 = arith.mulf %add3A_12, %mul3A_25 : vector<1024x96xf32>
    %dot_general3A_27 = arith.constant dense<0.000000e+00> : vector<1024x1024xf32>
    %dot_general3A_28 = tpu.matmul %mul3A_26, %add3A_24, %dot_general3A_27 {dimension_numbers = #tpu.dot_dimension_numbers<[1], [1], [0], [0], [0, 0, 1, 0], [], []>, transpose_lhs_hint = false} : vector<1024x96xf32>, vector<1024x96xf32>, vector<1024x1024xf32> -> vector<1024x1024xf32>
    %iota3A = tpu.iota {dimensions = array<i32: 1>} : vector<1024x512xi32>
    %convert_element_type3A = arith.sitofp %iota3A : vector<1024x512xi32> to vector<1024x512xf32>
    %slice3A = vector.extract_strided_slice %dot_general3A_28 {offsets = [0, 0], sizes = [1024, 512], strides = [1, 1]} : vector<1024x1024xf32> to vector<1024x512xf32>
    %reduce_max3A = arith.constant dense<0xFF800000> : vector<1024xf32>
    %reduce_max3A_29 = vector.multi_reduction <maximumf>, %slice3A, %reduce_max3A [1] : vector<1024x512xf32> to vector<1024xf32>
    %broadcast_in_dim3A_30 = vector.shape_cast %reduce_max3A_29 : vector<1024xf32> to vector<1024x1xf32>
    %eq3A = vector.broadcast %broadcast_in_dim3A_30 : vector<1024x1xf32> to vector<1024x512xf32>
    %eq3A_31 = arith.cmpf oeq, %slice3A, %eq3A : vector<1024x512xf32>
    %jit3A = arith.constant 1.024000e+03 : f32
    %broadcast_in_dim3A_32 = vector.broadcast %jit3A : f32 to vector<1024x512xf32>
    %select_n3A = arith.select %eq3A_31, %convert_element_type3A, %broadcast_in_dim3A_32 : vector<1024x512xi1>, vector<1024x512xf32>
    %reduce_min3A = arith.constant dense<0x7F800000> : vector<1024xf32>
    %reduce_min3A_33 = vector.multi_reduction <minimumf>, %select_n3A, %reduce_min3A [1] : vector<1024x512xf32> to vector<1024xf32>
    %broadcast_in_dim3A_34 = vector.shape_cast %reduce_min3A_33 : vector<1024xf32> to vector<1024x1xf32>
    %eq3A_35 = vector.broadcast %broadcast_in_dim3A_34 : vector<1024x1xf32> to vector<1024x512xf32>
    %eq3A_36 = arith.cmpf oeq, %convert_element_type3A, %eq3A_35 : vector<1024x512xf32>
    %jit3A_37 = arith.constant 0xFF800000 : f32
    %broadcast_in_dim3A_38 = vector.broadcast %jit3A_37 : f32 to vector<1024x512xf32>
    %select_n3A_39 = arith.select %eq3A_36, %broadcast_in_dim3A_38, %slice3A : vector<1024x512xi1>, vector<1024x512xf32>
    %reduce_max3A_40 = arith.constant dense<0xFF800000> : vector<1024xf32>
    %reduce_max3A_41 = vector.multi_reduction <maximumf>, %select_n3A_39, %reduce_max3A_40 [1] : vector<1024x512xf32> to vector<1024xf32>
    %broadcast_in_dim3A_42 = vector.shape_cast %reduce_max3A_41 : vector<1024xf32> to vector<1024x1xf32>
    %eq3A_43 = vector.broadcast %broadcast_in_dim3A_42 : vector<1024x1xf32> to vector<1024x512xf32>
    %eq3A_44 = arith.cmpf oeq, %select_n3A_39, %eq3A_43 : vector<1024x512xf32>
    %jit3A_45 = arith.constant 1.024000e+03 : f32
    %broadcast_in_dim3A_46 = vector.broadcast %jit3A_45 : f32 to vector<1024x512xf32>
    %select_n3A_47 = arith.select %eq3A_44, %convert_element_type3A, %broadcast_in_dim3A_46 : vector<1024x512xi1>, vector<1024x512xf32>
    %reduce_min3A_48 = arith.constant dense<0x7F800000> : vector<1024xf32>
    %reduce_min3A_49 = vector.multi_reduction <minimumf>, %select_n3A_47, %reduce_min3A_48 [1] : vector<1024x512xf32> to vector<1024xf32>
    %broadcast_in_dim3A_50 = vector.shape_cast %reduce_min3A_49 : vector<1024xf32> to vector<1024x1xf32>
    %eq3A_51 = vector.broadcast %broadcast_in_dim3A_50 : vector<1024x1xf32> to vector<1024x512xf32>
    %eq3A_52 = arith.cmpf oeq, %convert_element_type3A, %eq3A_51 : vector<1024x512xf32>
    %jit3A_53 = arith.constant 0xFF800000 : f32
    %broadcast_in_dim3A_54 = vector.broadcast %jit3A_53 : f32 to vector<1024x512xf32>
    %select_n3A_55 = arith.select %eq3A_52, %broadcast_in_dim3A_54, %select_n3A_39 : vector<1024x512xi1>, vector<1024x512xf32>
    %reduce_max3A_56 = arith.constant dense<0xFF800000> : vector<1024xf32>
    %reduce_max3A_57 = vector.multi_reduction <maximumf>, %select_n3A_55, %reduce_max3A_56 [1] : vector<1024x512xf32> to vector<1024xf32>
    %broadcast_in_dim3A_58 = vector.shape_cast %reduce_max3A_57 : vector<1024xf32> to vector<1024x1xf32>
    %eq3A_59 = vector.broadcast %broadcast_in_dim3A_58 : vector<1024x1xf32> to vector<1024x512xf32>
    %eq3A_60 = arith.cmpf oeq, %select_n3A_55, %eq3A_59 : vector<1024x512xf32>
    %jit3A_61 = arith.constant 1.024000e+03 : f32
    %broadcast_in_dim3A_62 = vector.broadcast %jit3A_61 : f32 to vector<1024x512xf32>
    %select_n3A_63 = arith.select %eq3A_60, %convert_element_type3A, %broadcast_in_dim3A_62 : vector<1024x512xi1>, vector<1024x512xf32>
    %reduce_min3A_64 = arith.constant dense<0x7F800000> : vector<1024xf32>
    %reduce_min3A_65 = vector.multi_reduction <minimumf>, %select_n3A_63, %reduce_min3A_64 [1] : vector<1024x512xf32> to vector<1024xf32>
    %broadcast_in_dim3A_66 = vector.shape_cast %reduce_min3A_65 : vector<1024xf32> to vector<1024x1xf32>
    %eq3A_67 = vector.broadcast %broadcast_in_dim3A_66 : vector<1024x1xf32> to vector<1024x512xf32>
    %eq3A_68 = arith.cmpf oeq, %convert_element_type3A, %eq3A_67 : vector<1024x512xf32>
    %jit3A_69 = arith.constant 0xFF800000 : f32
    %broadcast_in_dim3A_70 = vector.broadcast %jit3A_69 : f32 to vector<1024x512xf32>
    %select_n3A_71 = arith.select %eq3A_68, %broadcast_in_dim3A_70, %select_n3A_55 : vector<1024x512xi1>, vector<1024x512xf32>
    %reduce_max3A_72 = arith.constant dense<0xFF800000> : vector<1024xf32>
    %reduce_max3A_73 = vector.multi_reduction <maximumf>, %select_n3A_71, %reduce_max3A_72 [1] : vector<1024x512xf32> to vector<1024xf32>
    %broadcast_in_dim3A_74 = vector.shape_cast %reduce_max3A_73 : vector<1024xf32> to vector<1024x1xf32>
    %eq3A_75 = vector.broadcast %broadcast_in_dim3A_74 : vector<1024x1xf32> to vector<1024x512xf32>
    %eq3A_76 = arith.cmpf oeq, %select_n3A_71, %eq3A_75 : vector<1024x512xf32>
    %jit3A_77 = arith.constant 1.024000e+03 : f32
    %broadcast_in_dim3A_78 = vector.broadcast %jit3A_77 : f32 to vector<1024x512xf32>
    %select_n3A_79 = arith.select %eq3A_76, %convert_element_type3A, %broadcast_in_dim3A_78 : vector<1024x512xi1>, vector<1024x512xf32>
    %reduce_min3A_80 = arith.constant dense<0x7F800000> : vector<1024xf32>
    %reduce_min3A_81 = vector.multi_reduction <minimumf>, %select_n3A_79, %reduce_min3A_80 [1] : vector<1024x512xf32> to vector<1024xf32>
    %broadcast_in_dim3A_82 = vector.shape_cast %reduce_min3A_81 : vector<1024xf32> to vector<1024x1xf32>
    %slice3A_83 = vector.extract_strided_slice %dot_general3A_28 {offsets = [0, 512], sizes = [1024, 512], strides = [1, 1]} : vector<1024x1024xf32> to vector<1024x512xf32>
    %add3A_84 = arith.constant 5.120000e+02 : f32
    %add3A_85 = vector.broadcast %add3A_84 : f32 to vector<1024x512xf32>
    %add3A_86 = arith.addf %convert_element_type3A, %add3A_85 : vector<1024x512xf32>
    %reduce_max3A_87 = arith.constant dense<0xFF800000> : vector<1024xf32>
    %reduce_max3A_88 = vector.multi_reduction <maximumf>, %slice3A_83, %reduce_max3A_87 [1] : vector<1024x512xf32> to vector<1024xf32>
    %broadcast_in_dim3A_89 = vector.shape_cast %reduce_max3A_88 : vector<1024xf32> to vector<1024x1xf32>
    %eq3A_90 = vector.broadcast %broadcast_in_dim3A_89 : vector<1024x1xf32> to vector<1024x512xf32>
    %eq3A_91 = arith.cmpf oeq, %slice3A_83, %eq3A_90 : vector<1024x512xf32>
    %jit3A_92 = arith.constant 1.024000e+03 : f32
    %broadcast_in_dim3A_93 = vector.broadcast %jit3A_92 : f32 to vector<1024x512xf32>
    %select_n3A_94 = arith.select %eq3A_91, %add3A_86, %broadcast_in_dim3A_93 : vector<1024x512xi1>, vector<1024x512xf32>
    %reduce_min3A_95 = arith.constant dense<0x7F800000> : vector<1024xf32>
    %reduce_min3A_96 = vector.multi_reduction <minimumf>, %select_n3A_94, %reduce_min3A_95 [1] : vector<1024x512xf32> to vector<1024xf32>
    %broadcast_in_dim3A_97 = vector.shape_cast %reduce_min3A_96 : vector<1024xf32> to vector<1024x1xf32>
    %eq3A_98 = vector.broadcast %broadcast_in_dim3A_97 : vector<1024x1xf32> to vector<1024x512xf32>
    %eq3A_99 = arith.cmpf oeq, %add3A_86, %eq3A_98 : vector<1024x512xf32>
    %jit3A_100 = arith.constant 0xFF800000 : f32
    %broadcast_in_dim3A_101 = vector.broadcast %jit3A_100 : f32 to vector<1024x512xf32>
    %select_n3A_102 = arith.select %eq3A_99, %broadcast_in_dim3A_101, %slice3A_83 : vector<1024x512xi1>, vector<1024x512xf32>
    %reduce_max3A_103 = arith.constant dense<0xFF800000> : vector<1024xf32>
    %reduce_max3A_104 = vector.multi_reduction <maximumf>, %select_n3A_102, %reduce_max3A_103 [1] : vector<1024x512xf32> to vector<1024xf32>
    %broadcast_in_dim3A_105 = vector.shape_cast %reduce_max3A_104 : vector<1024xf32> to vector<1024x1xf32>
    %eq3A_106 = vector.broadcast %broadcast_in_dim3A_105 : vector<1024x1xf32> to vector<1024x512xf32>
    %eq3A_107 = arith.cmpf oeq, %select_n3A_102, %eq3A_106 : vector<1024x512xf32>
    %jit3A_108 = arith.constant 1.024000e+03 : f32
    %broadcast_in_dim3A_109 = vector.broadcast %jit3A_108 : f32 to vector<1024x512xf32>
    %select_n3A_110 = arith.select %eq3A_107, %add3A_86, %broadcast_in_dim3A_109 : vector<1024x512xi1>, vector<1024x512xf32>
    %reduce_min3A_111 = arith.constant dense<0x7F800000> : vector<1024xf32>
    %reduce_min3A_112 = vector.multi_reduction <minimumf>, %select_n3A_110, %reduce_min3A_111 [1] : vector<1024x512xf32> to vector<1024xf32>
    %broadcast_in_dim3A_113 = vector.shape_cast %reduce_min3A_112 : vector<1024xf32> to vector<1024x1xf32>
    %eq3A_114 = vector.broadcast %broadcast_in_dim3A_113 : vector<1024x1xf32> to vector<1024x512xf32>
    %eq3A_115 = arith.cmpf oeq, %add3A_86, %eq3A_114 : vector<1024x512xf32>
    %jit3A_116 = arith.constant 0xFF800000 : f32
    %broadcast_in_dim3A_117 = vector.broadcast %jit3A_116 : f32 to vector<1024x512xf32>
    %select_n3A_118 = arith.select %eq3A_115, %broadcast_in_dim3A_117, %select_n3A_102 : vector<1024x512xi1>, vector<1024x512xf32>
    %reduce_max3A_119 = arith.constant dense<0xFF800000> : vector<1024xf32>
    %reduce_max3A_120 = vector.multi_reduction <maximumf>, %select_n3A_118, %reduce_max3A_119 [1] : vector<1024x512xf32> to vector<1024xf32>
    %broadcast_in_dim3A_121 = vector.shape_cast %reduce_max3A_120 : vector<1024xf32> to vector<1024x1xf32>
    %eq3A_122 = vector.broadcast %broadcast_in_dim3A_121 : vector<1024x1xf32> to vector<1024x512xf32>
    %eq3A_123 = arith.cmpf oeq, %select_n3A_118, %eq3A_122 : vector<1024x512xf32>
    %jit3A_124 = arith.constant 1.024000e+03 : f32
    %broadcast_in_dim3A_125 = vector.broadcast %jit3A_124 : f32 to vector<1024x512xf32>
    %select_n3A_126 = arith.select %eq3A_123, %add3A_86, %broadcast_in_dim3A_125 : vector<1024x512xi1>, vector<1024x512xf32>
    %reduce_min3A_127 = arith.constant dense<0x7F800000> : vector<1024xf32>
    %reduce_min3A_128 = vector.multi_reduction <minimumf>, %select_n3A_126, %reduce_min3A_127 [1] : vector<1024x512xf32> to vector<1024xf32>
    %broadcast_in_dim3A_129 = vector.shape_cast %reduce_min3A_128 : vector<1024xf32> to vector<1024x1xf32>
    %eq3A_130 = vector.broadcast %broadcast_in_dim3A_129 : vector<1024x1xf32> to vector<1024x512xf32>
    %eq3A_131 = arith.cmpf oeq, %add3A_86, %eq3A_130 : vector<1024x512xf32>
    %jit3A_132 = arith.constant 0xFF800000 : f32
    %broadcast_in_dim3A_133 = vector.broadcast %jit3A_132 : f32 to vector<1024x512xf32>
    %select_n3A_134 = arith.select %eq3A_131, %broadcast_in_dim3A_133, %select_n3A_118 : vector<1024x512xi1>, vector<1024x512xf32>
    %reduce_max3A_135 = arith.constant dense<0xFF800000> : vector<1024xf32>
    %reduce_max3A_136 = vector.multi_reduction <maximumf>, %select_n3A_134, %reduce_max3A_135 [1] : vector<1024x512xf32> to vector<1024xf32>
    %broadcast_in_dim3A_137 = vector.shape_cast %reduce_max3A_136 : vector<1024xf32> to vector<1024x1xf32>
    %eq3A_138 = vector.broadcast %broadcast_in_dim3A_137 : vector<1024x1xf32> to vector<1024x512xf32>
    %eq3A_139 = arith.cmpf oeq, %select_n3A_134, %eq3A_138 : vector<1024x512xf32>
    %jit3A_140 = arith.constant 1.024000e+03 : f32
    %broadcast_in_dim3A_141 = vector.broadcast %jit3A_140 : f32 to vector<1024x512xf32>
    %select_n3A_142 = arith.select %eq3A_139, %add3A_86, %broadcast_in_dim3A_141 : vector<1024x512xi1>, vector<1024x512xf32>
    %reduce_min3A_143 = arith.constant dense<0x7F800000> : vector<1024xf32>
    %reduce_min3A_144 = vector.multi_reduction <minimumf>, %select_n3A_142, %reduce_min3A_143 [1] : vector<1024x512xf32> to vector<1024xf32>
    %broadcast_in_dim3A_145 = vector.shape_cast %reduce_min3A_144 : vector<1024xf32> to vector<1024x1xf32>
    %concatenate3A = tpu.concatenate %broadcast_in_dim3A_30, %broadcast_in_dim3A_42, %broadcast_in_dim3A_58, %broadcast_in_dim3A_74, %broadcast_in_dim3A_89, %broadcast_in_dim3A_105, %broadcast_in_dim3A_121, %broadcast_in_dim3A_137 in 1 : vector<1024x1xf32>, vector<1024x1xf32>, vector<1024x1xf32>, vector<1024x1xf32>, vector<1024x1xf32>, vector<1024x1xf32>, vector<1024x1xf32>, vector<1024x1xf32> -> vector<1024x8xf32>
    %swap3A = arith.constant 0 : index
    %swap3A_146 = arith.constant 0 : index
    %swap3A_147 = arith.constant 0 : index
    %swap3A_148 = vector.load %arg6[%swap3A, %swap3A_146, %swap3A_147] : memref<1x1024x8xf32, #tpu.memory_space<vmem>>, vector<1x1024x8xf32>
    %swap3A_149 = vector.shape_cast %swap3A_148 : vector<1x1024x8xf32> to vector<1024x8xf32>
    %swap3A_150 = vector.shape_cast %concatenate3A : vector<1024x8xf32> to vector<1x1024x8xf32>
    tpu.vector_store %arg6[%swap3A, %swap3A_146, %swap3A_147], %swap3A_150 {strides = array<i32>} : memref<1x1024x8xf32, #tpu.memory_space<vmem>>, vector<1x1024x8xf32>,
    %concatenate3A_151 = tpu.concatenate %broadcast_in_dim3A_34, %broadcast_in_dim3A_50, %broadcast_in_dim3A_66, %broadcast_in_dim3A_82, %broadcast_in_dim3A_97, %broadcast_in_dim3A_113, %broadcast_in_dim3A_129, %broadcast_in_dim3A_145 in 1 : vector<1024x1xf32>, vector<1024x1xf32>, vector<1024x1xf32>, vector<1024x1xf32>, vector<1024x1xf32>, vector<1024x1xf32>, vector<1024x1xf32>, vector<1024x1xf32> -> vector<1024x8xf32>
    %convert_element_type3A_152 = arith.fptosi %concatenate3A_151 : vector<1024x8xf32> to vector<1024x8xi32>
    %swap3A_153 = arith.constant 0 : index
    %swap3A_154 = arith.constant 0 : index
    %swap3A_155 = arith.constant 0 : index
    %swap3A_156 = vector.load %arg7[%swap3A_153, %swap3A_154, %swap3A_155] : memref<1x1024x8xi32, #tpu.memory_space<vmem>>, vector<1x1024x8xi32>
    %swap3A_157 = vector.shape_cast %swap3A_156 : vector<1x1024x8xi32> to vector<1024x8xi32>
    %swap3A_158 = vector.shape_cast %convert_element_type3A_152 : vector<1024x8xi32> to vector<1x1024x8xi32>
    tpu.vector_store %arg7[%swap3A_153, %swap3A_154, %swap3A_155], %swap3A_158 {strides = array<i32>} : memref<1x1024x8xi32, #tpu.memory_space<vmem>>, vector<1x1024x8xi32>,
    return
  }
  func.func @transform_0(%arg0: i32) -> (i32, i32, i32) {
    %c0_i32 = arith.constant 0 : i32
    %c0_i32_0 = arith.constant 0 : i32
    %c0_i32_1 = arith.constant 0 : i32
    return %arg0, %c0_i32, %c0_i32_0 : i32, i32, i32
  }
  func.func @transform_1(%arg0: i32) -> (i32, i32) {
    %c0_i32 = arith.constant 0 : i32
    %c0_i32_0 = arith.constant 0 : i32
    %c0_i32_1 = arith.constant 0 : i32
    return %c0_i32, %c0_i32_0 : i32, i32
  }
  func.func @transform_2(%arg0: i32) -> (i32, i32) {
    %c0_i32 = arith.constant 0 : i32
    %c0_i32_0 = arith.constant 0 : i32
    %c0_i32_1 = arith.constant 0 : i32
    return %c0_i32, %c0_i32_0 : i32, i32
  }
  func.func @transform_3(%arg0: i32) -> (i32, i32) {
    %c0_i32 = arith.constant 0 : i32
    %c0_i32_0 = arith.constant 0 : i32
    %c0_i32_1 = arith.constant 0 : i32
    return %c0_i32, %c0_i32_0 : i32, i32
  }
  func.func @transform_4(%arg0: i32) -> (i32, i32) {
    %c0_i32 = arith.constant 0 : i32
    %c0_i32_0 = arith.constant 0 : i32
    %c0_i32_1 = arith.constant 0 : i32
    return %c0_i32, %c0_i32_0 : i32, i32
  }
  func.func @transform_5(%arg0: i32) -> (i32, i32, i32) {
    %c0_i32 = arith.constant 0 : i32
    %c0_i32_0 = arith.constant 0 : i32
    %c0_i32_1 = arith.constant 0 : i32
    return %arg0, %c0_i32, %c0_i32_0 : i32, i32, i32
  }
  func.func @transform_6(%arg0: i32) -> (i32, i32, i32) {
    %c0_i32 = arith.constant 0 : i32
    %c0_i32_0 = arith.constant 0 : i32
    %c0_i32_1 = arith.constant 0 : i32
    return %arg0, %c0_i32, %c0_i32_0 : i32, i32, i32
  }
}

</mosaic_0001>

<sc_bundles>
// kernel: kernel.4.cloned.1.call-start
scs
__scs_entry_jumppad:
0x0: {  	(pc) =	sbr.rel $0x88, $3  }
0x1: {  	(tag) =	ssettag $0x0;
	lr =	simm.s32 $0x1  }
0x2: {  	[smem:$0x3F9C] =	sst lr;
	_ =	strace $0xD0000000  }
0x3: {  	_ = 	snop  }
0x4: {  	_ = 	snop  }
0x5: {  	_ = 	snop  }
0x6: {  	_ = 	snop  }
0x7: {  	_ = 	snop  }
__scs_overlays_trampoline_lowered:
0x8: {  	[smem:$0x3FAB] =	sst s0  }
0x9: {  	[smem:$0x3FAC] =	sst s1  }
0xa: {  	[smem:$0x3FAD] =	sst s2  }
0xb: {  	[smem:$0x3FAE] =	sst s3  }
0xc: {  	[smem:$0x3FAF] =	sst s4  }
0xd: {  	[smem:$0x3FB0] =	sst s5  }
0xe: {  	[smem:$0x3FB1] =	sst s6  }
0xf: {  	[smem:$0x3FB2] =	sst s7  }
0x10: {  	[smem:$0x3FB3] =	sst s8  }
0x11: {  	[smem:$0x3FB4] =	sst s9;
	s0 =	simm.s32 @!p0 $0x0  }
0x12: {  	s1 =	sld [smem:$0x3F9A];
	s0 =	simm.s32 @p0 $0x1  }
0x13: {  	[smem:$0x3FB5] =	sst s0;
	s0 =	simm.s32 @!p1 $0x0  }
0x14: {  	s2 =	sld [smem:$0x3F99];
	s0 =	simm.s32 @p1 $0x1  }
0x15: {  	[smem:$0x3FB6] =	sst s0;
	s0 =	simm.s32 @!p2 $0x0  }
0x16: {  	s3 =	sld [smem:$0x3FDB];
	s0 =	simm.s32 @p2 $0x1  }
0x17: {  	s4 =	simm.s32 $0x1BF5;
	[smem:$0x3FB8] =	sst s0  }
0x18: {  	s0 =	sld [smem:$0x3F9B];
	_ =	swait.ge [sflag:s4], $0x0  }
0x19: {  	s7 =	sld [smem:$0x3F9C]  }
0x1a: {  	s8 =	sadd.s32 $0xFFFFE003, lr  }
0x1b: {  	s9 =	sadd.s32 $0xFFFFFEF7, lr;
	s5 =	simm.s32 $0xFFFFFFFF;
	p2 =	slt.u32 s8, $0xFFFFF086  }
0x1c: {  	p1 =	slt.u32 s9, $0xF7A;
	s5 =	simm.s32 @!p2 $0x0  }
0x1d: {  	s5 =	simm.s32 @p1 $0x1;
	p0 =	seq.s32 s7, s2  }
0x1e: {  	s7 =	smul.u32 @!p0 $0xF7A, s2;
	p2 =	seq.s32 @!p0 s5, $0x0  }
0x1f: {  	s9 =	smul.u32 $0xF7A, s1;
	s8 =	simm.s32 @!p0 $0x1BF5;
	p2 =	por !p2, p0  }
0x20: {  	[sflag:s8] =	ssyncset.s32 @!p0 $0xFFFFF086;
	s6 =	sadd.s32 @!p0 s3, s7;
	s7 =	simm.s32 @!p0 $0x108  }
0x21: {  	s3 =	sadd.s32 s3, s9;
	s6 =	sadd.s32 @!p0 $0x88, s6;
	s7 =	simm.s32 @p2 $0x1082  }
0x22: {  	[simem:s7], [sflag:s8] =	dma.local @!p0 [hbm:s6], $0xF7A  }
0x23: {  	s9 =	sor.u32 $0xD0000000, s2;
	s6 =	simm.s32 $0x108;
	_ =	swait.ge @!p0 [sflag:s8], $0x0  }
0x24: {  	s3 =	sadd.s32 $0x88, s3;
	s6 =	simm.s32 @!p1 $0x1082;
	[sflag:s4] =	ssyncset.s32 $0xFFFFF086  }
0x25: {  	[simem:s6], [sflag:s4] =	dma.local [hbm:s3], $0xF7A  }
0x26: {  	[smem:$0x3F9C] =	sst s1;
	(tag) =	ssettag s2;
	_ =	strace s9  }
0x27: {  	s1 =	sld [smem:$0x3FAC]  }
0x28: {  	s2 =	sld [smem:$0x3FAD]  }
0x29: {  	s4 =	sld [smem:$0x3FAF]  }
0x2a: {  	p0 =	seq.s32 s5, $0x0;
	s5 =	sld [smem:$0x3FB0]  }
0x2b: {  	s6 =	sld [smem:$0x3FB1]  }
0x2c: {  	s7 =	sld [smem:$0x3FB2]  }
0x2d: {  	s3 =	simm.s32 $0x108;
	s8 =	sld [smem:$0x3FB3]  }
0x2e: {  	s3 =	simm.s32 @!p0 $0x1082;
	s9 =	sld [smem:$0x3FB4]  }
0x2f: {  	lr =	sadd.s32 s0, s3;
	s0 =	sld [smem:$0x3FAB]  }
0x30: {  	s3 =	sld [smem:$0x3FAE]  }
0x31: {  	[smem:$0x3FB7] =	sst s10  }
0x32: {  	s10 =	sld [smem:$0x3FB5];
	_ =	sdelay $0x3  }
0x33: {  	p0 =	seq.s32 s10, $0x1;
	s10 =	sld [smem:$0x3FB7];
	_ =	sdelay $0x3  }
0x34: {  	[smem:$0x3FB7] =	sst s10  }
0x35: {  	s10 =	sld [smem:$0x3FB6];
	_ =	sdelay $0x3  }
0x36: {  	p1 =	seq.s32 s10, $0x1;
	s10 =	sld [smem:$0x3FB7];
	_ =	sdelay $0x3  }
0x37: {  	[smem:$0x3FB7] =	sst s10  }
0x38: {  	s10 =	sld [smem:$0x3FB8]  }
0x39: {  	_ = 	snop;
	(pc) =	sbr.ind lr, $3  }
0x3a: {  	_ = 	snop  }
0x3b: {  	_ = 	snop  }
0x3c: {  	p2 =	seq.s32 s10, $0x1;
	s10 =	sld [smem:$0x3FB7]  }
0x3d: {  	_ =	shalt  }
0x3e: {  	_ =	shalt  }
0x3f: {  	_ =	shalt  }
0x40: {  	_ =	shalt  }
0x41: {  	_ =	shalt  }
0x42: {  	_ =	shalt  }
0x43: {  	_ =	shalt  }
0x44: {  	_ =	shalt  }
0x45: {  	_ =	shalt  }
0x46: {  	_ =	shalt  }
0x47: {  	_ =	shalt  }
0x48: {  	_ =	shalt  }
0x49: {  	_ =	shalt  }
0x4a: {  	_ =	shalt  }
0x4b: {  	_ =	shalt  }
0x4c: {  	_ =	shalt  }
0x4d: {  	_ =	shalt  }
0x4e: {  	_ =	shalt  }
0x4f: {  	_ =	shalt  }
0x50: {  	_ =	shalt  }
0x51: {  	_ =	shalt  }
0x52: {  	_ =	shalt  }
0x53: {  	_ =	shalt  }
0x54: {  	_ =	shalt  }
0x55: {  	_ =	shalt  }
0x56: {  	_ =	shalt  }
0x57: {  	_ =	shalt  }
0x58: {  	_ =	shalt  }
0x59: {  	_ =	shalt  }
0x5a: {  	_ =	shalt  }
0x5b: {  	_ =	shalt  }
0x5c: {  	_ =	shalt  }
0x5d: {  	_ =	shalt  }
0x5e: {  	_ =	shalt  }
0x5f: {  	_ =	shalt  }
0x60: {  	_ =	shalt  }
0x61: {  	_ =	shalt  }
0x62: {  	_ =	shalt  }
0x63: {  	_ =	shalt  }
0x64: {  	_ =	shalt  }
0x65: {  	_ =	shalt  }
0x66: {  	_ =	shalt  }
0x67: {  	_ =	shalt  }
0x68: {  	_ =	shalt  }
0x69: {  	_ =	shalt  }
0x6a: {  	_ =	shalt  }
0x6b: {  	_ =	shalt  }
0x6c: {  	_ =	shalt  }
0x6d: {  	_ =	shalt  }
0x6e: {  	_ =	shalt  }
0x6f: {  	_ =	shalt  }
0x70: {  	_ =	shalt  }
0x71: {  	_ =	shalt  }
0x72: {  	_ =	shalt  }
0x73: {  	_ =	shalt  }
0x74: {  	_ =	shalt  }
0x75: {  	_ =	shalt  }
0x76: {  	_ =	shalt  }
0x77: {  	_ =	shalt  }
0x78: {  	_ =	shalt  }
0x79: {  	_ =	shalt  }
0x7a: {  	_ =	shalt  }
0x7b: {  	_ =	shalt  }
0x7c: {  	_ =	shalt  }
0x7d: {  	_ =	shalt  }
0x7e: {  	_ =	shalt  }
0x7f: {  	_ =	shalt  }
0x80: {  	_ =	shalt  }
0x81: {  	_ =	shalt  }
0x82: {  	_ =	shalt  }
0x83: {  	_ =	shalt  }
0x84: {  	_ =	shalt  }
0x85: {  	_ =	shalt  }
0x86: {  	_ =	shalt  }
0x87: {  	_ =	shalt  }
.Lfunc_end0:
.L_simem_size_0:
called_computation_lowered:
.L_overlay_start_0:
0x88: {  	s2 =	sld [smem:$0x3FD9]  }
0x89: {  	s3 =	sld [smem:$0x3FFE];
	_ =	sdelay $0x1  }
0x8a: {  	s1 =	srdreg.scid  }
0x8b: {  	s0 =	sand.u32 $0x1, s1  }
0x8c: {  	s14 =	sshll.u32 s0, $0xA;
	s2 =	sadd.s32 s3, s2  }
0x8d: {  	s2 =	sadd.s32 s2, s14  }
0x8e: {  	[smem:$0x3FC3] =	sst s2  }
0x8f: {  	_ = 	snop  }
0x90: {  	s2 =	sld [smem:$0x3FD0];
	_ =	sdelay $0x2  }
0x91: {  	s15 =	simm.s32 $0xA;
	s4 =	simm.s32 $0x10  }
0x92: {  	[smem:s4], [sflag:s15] =	dma.local [hbm:s2], $0x1  }
0x93: {  	_ =	swait.eq [sflag:s15], $0x1  }
0x94: {  	[sflag:s15] =	ssyncset.done $0x0  }
0x95: {  	[sflag:s15] =	ssyncadd.s32 $0xFFFFFFFF  }
0x96: {  	s16 =	sld [smem:$0x11];
	(tm) =	ssettm $0x1  }
0x97: {  	s17 =	sld [smem:$0x3FFB];
	_ =	sdelay $0x3  }
0x98: {  	_ =	strace s17  }
0x99: {  	s3 =	sld [smem:$0x3FFC];
	_ =	sdelay $0x3  }
0x9a: {  	_ =	strace s3  }
0x9b: {  	s3 =	sld [smem:$0x3FFD];
	_ =	sdelay $0x3  }
0x9c: {  	_ =	strace s3  }
0x9d: {  	_ =	strace $0x8FFFFFFF  }
0x9e: {  	s18 =	sld [smem:$0x3FDB];
	_ =	sdelay $0x1  }
0x9f: {  	s19 =	simm.s32 $_scs_section_size  }
0xa0: {  	s5 =	simm.s32 $_size__tile_overlayer_lowered;
	s6 =	simm.s32 $_tile_overlayer_lowered  }
0xa1: {  	s22 =	simm.s32 $0x1BFF;
	s21 =	sshll.u32 s6, $0x1;
	s3 =	sadd.s32 s19, s18  }
0xa2: {  	s7 =	simm.s32 $0x0;
	s20 =	sshll.u32 s5, $0x1;
	s5 =	sadd.s32 s21, s3  }
0xa3: {  	[timem:s7], [sflag:s22] =	dma.local [hbm:s5], s20  }
0xa4: {  	_ =	swait.ge [sflag:s22], s20  }
0xa5: {  	s4 =	ssub.s32 $0x0, s20;
	[sflag:s22] =	ssyncset.done $0x0  }
0xa6: {  	[sflag:s22] =	ssyncadd.s32 s4;
	_ =	sdelay $0x1  }
0xa7: {  	s23 =	simm.s32 $0x1B8B  }
0xa8: {  	_ =	swait.ge [sflag:s23], $0x1  }
0xa9: {  	[sflag:s23] =	ssyncset.done $0x0  }
0xaa: {  	s25 =	simm.s32 $0x1B8E;
	s24 =	sld [smem:$0x3FFE];
	[sflag:s23] =	ssyncadd.s32 $0xFFFFFFFF  }
0xab: {  	s26 =	simm.s32 $execute0_lowered;
	[smem:$0x3FD2] =	sst s25  }
0xac: {  	s5 =	sshll.u32 s26, $0x1;
	_ =	strace $0x80000046;
	[dreg:$0x1] =	wrdreg $0xFFFFFFFF  }
0xad: {  	s28 =	simm.s32 $_size_execute0_lowered;
	s3 =	sadd.s32 s3, s5;
	[dreg:$0x0] =	wrdreg $0x0  }
0xae: {  	s5 =	sshll.u32 s28, $0x1;
	[dreg:$0x2] =	wrdreg s3  }
0xaf: {  	[dreg:$0x3] =	wrdreg s5  }
0xb0: {  	[dreg:$0x4] =	wrdreg $0xC0  }
0xb1: {  	_ =	task [dreg:s7], $0x5FFFF  }
0xb2: {  	[dreg:$0x1] =	wrdreg $0xFFFFFFFF  }
0xb3: {  	[dreg:$0x0] =	wrdreg $0x60  }
0xb4: {  	[dreg:$0x2] =	wrdreg s24  }
0xb5: {  	[dreg:$0x3] =	wrdreg s16  }
0xb6: {  	[dreg:$0x4] =	wrdreg $0x9  }
0xb7: {  	_ =	task.clear_ibuf [dreg:s7], $0x5FFFF;
	_ =	strace $0x90000046  }
0xb8: {  	s29 =	simm.s32 $0x9;
	_ =	strace $0x80000048  }
0xb9: {  	_ =	swait.ge [sflag:s29], $0x1  }
0xba: {  	[sflag:s29] =	ssyncadd.s32 $0xFFFFFFFF  }
0xbb: {  	_ =	strace $0x90000048  }
0xbc: {  	_ =	sfence  }
0xbd: {  	s30 =	sld [smem:$0x0];
	_ =	sdelay $0x2  }
0xbe: {  	s31 =	sshll.u32 s1, $0xD;
	s1 =	sshrl.u32 s1, $0x2  }
0xbf: {  	s3 =	sand.u32 $0x4000, s31;
	s1 =	sadd.s32 s1, s30  }
0xc0: {  	s0 =	sor.u32 s3, s0;
	s1 =	sshll.u32 s1, $0x11  }
0xc1: {  	s0 =	sor.u32 s1, s0  }
0xc2: {  	s0 =	sadd.s32 $0x8F2B, s0  }
0xc3: {  	[sflag:s0] =	ssyncadd.remote.s32 $0x1  }
0xc4: {  	_ =	sfence.sel $0xFFFF  }
0xc5: {  	[dreg:$0x0] =	wrdreg $0xFFFFFFFF;
	(pc) =	sbr.abs _section_cstart, $3  }
0xc6: {  	[dreg:$0x1] =	wrdreg $0xFFFFFFFF  }
0xc7: {  	_ =	task.clear_ibuf [dreg:s7], $0x2FFFF;
	_ =	strace $0x9FFFFFFF  }
0xc8: {  	(tm) =	ssettm $0x7FFFFFFF  }
0xc9: {  	_ =	shalt  }
tec
execute0_lowered:
.L_overlay_start_1:
0x0: {  	(tag) =	ssettag $0x1  }
0x1: {  	v0 =	vimm.s32 $0x89ABCDEF  }
0x2: {  	v1 =	vimm.s32 $0x1234567;
	vm0 =	vcmask $0x3F30;
	vm1 =	vcmask $0x1F10  }
0x3: {  	v2 =	vimm.s32 $0x54761032;
	vm2 =	vcmask $0xF08;
	v0 =	vunpack.c.l.s4.s8 v0  }
0x4: {  	v1 =	vunpack.c.l.s4.s8 v1;
	vm0 =	vmor vm1, vm0;
	vm1 =	vcmask $0x1F18  }
0x5: {  	v3 =	vimm.s32 $0xEFCDAB89;
	vm3 =	vcmask $0x704;
	vm1 =	vmor vm2, vm1  }
0x6: {  	vm2 =	vcmask $0x2F28;
	v0 =	vunpack.c.0.s8.s32 v0;
	v1 =	vunpack.c.0.s8.s32 v1  }
0x7: {  	s3 =	rddreg [dreg:$0x0];
	v4 =	vimm.s32 $0xBA983210;
	v2 =	vunpack.c.l.s4.s8 v2;
	vm1 =	vmor vm1, vm2  }
0x8: {  	s5 =	rddreg [dreg:$0x1];
	vm2 =	vcmask $0x3F38;
	v0 =	vcombine.low v1, v0;
	v1 =	vimm.s32 $0xDCFE98BA  }
0x9: {  	s0 =	rddreg [dreg:$0x2];
	s1 =	simm.s32 $0x0;
	vm1 =	vmor vm1, vm2;
	vm2 =	vcmask $0xF0C;
	v1 =	vunpack.c.l.s4.s8 v1  }
0xa: {  	s4 =	srdreg.scid;
	s2 =	stileid.u32;
	s10 =	simm.s32 $0x1;
	v2 =	vunpack.c.0.s8.s32 v2;
	vm2 =	vmor vm3, vm2;
	vm3 =	vcmask $0x1714  }
0xb: {  	s11 =	simm.s32 $0x2000;
	s12 =	simm.s32 $0x4000;
	s13 =	simm.s32 $0x5000;
	vm2 =	vmor vm2, vm3;
	vm3 =	vcmask $0x1F1C;
	v1 =	vunpack.c.0.s8.s32 v1  }
0xc: {  	s14 =	simm.s32 $0x0;
	[smem:$0x7FF] =	sst s1;
	s4 =	sand.u32 $0x1, s4;
	v4 =	vunpack.c.l.s4.s8 v4;
	vm2 =	vmor vm2, vm3;
	vm3 =	vcmask $0x2724  }
0xd: {  	s6 =	sshll.u32 s2, $0x8;
	s7 =	sshrl.u32 s2, $0x2;
	_ =	strace $0x80000047;
	v1 =	vcombine.low v2, v1;
	v2 =	vunpack.c.l.s4.s8 v3;
	v3 =	vimm.s32 $0x67452301  }
0xe: {  	s8 =	sshll.u32 s4, $0x7;
	s6 =	sand.u32 $0x300, s6;
	s29 =	sshll.u32 s7, $0x10;
	vm2 =	vmor vm2, vm3;
	vm3 =	vcmask $0x2F2C;
	v3 =	vunpack.c.l.s4.s8 v3  }
0xf: {  	s7 =	sshll.u32 s7, $0xF;
	s4 =	ssub.s32 $0x2, s4;
	s6 =	sor.u32 s8, s6;
	v4 =	vunpack.c.0.s8.s32 v4;
	vm2 =	vmor vm2, vm3  }
0x10: {  	s31 =	sshrl.u32 s4, $0x1;
	s8 =	sor.u32 s29, s6;
	s6 =	sor.u32 s7, s6;
	vm3 =	vcmask $0x3734;
	v2 =	vunpack.c.0.s8.s32 v2;
	v3 =	vunpack.c.0.s8.s32 v3  }
0x11: {  	s30 =	sshrl.u32 s8, $0x3;
	s6 =	sshrl.u32 s6, $0x3;
	s8 =	ssub.s32 s4, s31;
	v4 =	vand.u32 $0xF, v4;
	v0 =	vand.u32 $0xF, v0;
	vm2 =	vmor vm2, vm3  }
0x12: {  	s7 =	sadd.s32 s30, s3;
	s9 =	sadd.s32 s6, s3;
	s5 =	sadd.s32 s5, s6;
	vm3 =	vcmask $0x3F3C;
	v2 =	vcombine.low v3, v2;
	v3 =	vlaneseq.u32  }
0x13: {  	s3 =	sadd.s32 $0x1200, s7;
	s4 =	sadd.s32 $0x9200, s7;
	s6 =	sadd.s32 $0x11200, s9;
	vm2 =	vmor vm2, vm3;
	vm3 =	vmmov $0xff;
	v3 =	vshrl.u32 v3, $0x3  }
0x14: {  	s7 =	smax.u32 s8, $0x1;
	s8 =	simm.s32 $0x80;
	s9 =	simm.s32 $0x400;
	v1 =	vand.u32 $0xF, v1;
	v2 =	vand.u32 $0xF, v2;
	v3 =	vmul.u32 $0x8, v3  }
.LBB2_1:
0x15: {  	[tilespmem:s1], [sflag:$0x1] =	stream.strided.gather [hbm4b:s3+s8], $0x2000, s9, s8, $0x38;
	[tilespmem:$0x6000] =	vst v63  }
0x16: {  	_ =	swait.ge [sflag:s10], $0x2000  }
0x17: {  	[sflag:s10] =	ssyncset.done $0x0  }
0x18: {  	[sflag:s10] =	ssyncadd.s32 $0xFFFFE000  }
0x19: {  	[tilespmem:s11], [sflag:$0x1] =	stream.strided.gather [hbm4b:s4+s8], $0x2000, s9, s8, $0x38;
	[tilespmem:$0x6000] =	vst v63  }
0x1a: {  	_ =	swait.ge [sflag:s10], $0x2000  }
0x1b: {  	[sflag:s10] =	ssyncset.done $0x0  }
0x1c: {  	s15 =	simm.s32 $0x40;
	[sflag:s10] =	ssyncadd.s32 $0xFFFFE000  }
0x1d: {  	s16 =	simm.s32 $0x2040;
	v5 =	vld [tilespmem:s15+$0xFFFFFFD0]  }
0x1e: {  	v6 =	vld [tilespmem:s16+$0xFFFFFFD0];
	_ =	sdelay $0x4  }
0x1f: {  	v7 =	vperm.xlane v5, v0;
	v8 =	vperm.xlane v6, v0;
	_ =	sdelay $0x1  }
0x20: {  	vm4 =	veq.f32 v5, v7;
	vm5 =	vlt.s32 v6, v8  }
0x21: {  	vm6 =	vgt.f32 v5, v7;
	vm4 =	vmand vm4, vm5  }
0x22: {  	vm4 =	vmor vm6, vm4  }
0x23: {  	vm4 =	vmxor vm4, vm0  }
0x24: {  	v5 =	vsel vm4, v5, v7;
	v6 =	vsel vm4, v6, v8  }
0x25: {  	v7 =	vperm.xlane v5, v1;
	v8 =	vperm.xlane v6, v1;
	_ =	sdelay $0x1  }
0x26: {  	vm4 =	veq.f32 v5, v7;
	vm5 =	vlt.s32 v6, v8  }
0x27: {  	vm10 =	vgt.f32 v5, v7;
	vm4 =	vmand vm4, vm5  }
0x28: {  	vm4 =	vmor vm10, vm4  }
0x29: {  	vm4 =	vmxor vm4, vm1  }
0x2a: {  	v10 =	vld [tilespmem:s16+$0xFFFFFFE0];
	v7 =	vsel vm4, v5, v7;
	v5 =	vsel vm4, v6, v8  }
0x2b: {  	v12 =	vld [tilespmem:s15+$0x20];
	v8 =	vperm.xlane v7, v2;
	v6 =	vperm.xlane v5, v2  }
0x2c: {  	v13 =	vld [tilespmem:s16+$0x20]  }
0x2d: {  	v38 =	vld [tilespmem:s16+$0xFFFFFFF0];
	vm4 =	veq.f32 v7, v8;
	vm5 =	vlt.s32 v5, v6  }
0x2e: {  	v22 =	vld [tilespmem:s15+$0xFFFFFFF0];
	vm11 =	vgt.f32 v7, v8;
	vm4 =	vmand vm4, vm5  }
0x2f: {  	v46 =	vld [tilespmem:s15+$0xFFFFFFC0];
	vm4 =	vmor vm11, vm4  }
0x30: {  	v47 =	vld [tilespmem:s15+$0x0];
	vm4 =	vmxor vm4, vm2  }
0x31: {  	v7 =	vsel vm4, v7, v8;
	v8 =	vld [tilespmem:s15+$0xFFFFFFE0]  }
0x32: {  	v15 =	vperm.xlane v10, v0;
	v9 =	vperm.xlane v7, v3  }
0x33: {  	v11 =	vld [tilespmem:s16+$0x30];
	v17 =	vperm.xlane v12, v0;
	v18 =	vperm.xlane v13, v0  }
0x34: {  	v40 =	vperm.xlane v22, v0;
	v24 =	vperm.xlane v38, v0;
	v7 =	vsub.f32 v7, v9;
	v9 =	vld [tilespmem:s15+$0x30]  }
0x35: {  	v30 =	vperm.xlane v47, v0;
	v31 =	vperm.xlane v46, v0  }
0x36: {  	vm7 =	vlt.s32 v10, v15;
	v7 =	vmul.f32 $1.442695020e+00, v7;
	v14 =	vperm.xlane v8, v0  }
0x37: {  	vm14 =	veq.f32 v12, v17;
	vm15 =	vlt.s32 v13, v18;
	vm11 =	vlt.s32 v38, v24  }
0x38: {  	(erf) = vpow2.f32 v7;
	v7 =	vperm.xlane v11, v0;
	vm12 =	veq.f32 v8, v14  }
0x39: {  	vm5 =	vgt.f32 v8, v14;
	v16 =	vperm.xlane v9, v0;
	vm6 =	vmand vm12, vm7  }
0x3a: {  	vm12 =	vgt.f32 v12, v17;
	vm13 =	vlt.s32 v11, v7;
	vm5 =	vmor vm5, vm6  }
0x3b: {  	vm6 =	vmand vm14, vm15;
	vm9 =	veq.f32 v9, v16;
	vm5 =	vmxor vm5, vm0  }
0x3c: {  	vm8 =	vgt.f32 v9, v16;
	vm7 =	vmand vm9, vm13;
	v14 =	vsel vm5, v8, v14  }
0x3d: {  	v15 =	vsel vm5, v10, v15;
	vm5 =	vmor vm12, vm6;
	vm7 =	vmor vm8, vm7  }
0x3e: {  	v32 =	vperm.xlane v14, v1;
	v19 =	vperm.xlane v15, v1;
	vm7 =	vmxor vm7, vm0  }
0x3f: {  	vm5 =	vmxor vm5, vm0;
	v8 =	vsel vm7, v9, v16;
	v7 =	vsel vm7, v11, v7  }
0x40: {  	v33 =	vsel vm5, v13, v18;
	v9 =	vperm.xlane v8, v1;
	v10 =	vperm.xlane v7, v1  }
0x41: {  	vm14 =	veq.f32 v14, v32;
	v11 =	vsel vm5, v12, v17;
	vm12 =	vlt.s32 v15, v19  }
0x42: {  	v18 =	vperm.xlane v33, v1;
	vm13 =	veq.f32 v8, v9;
	vm7 =	vlt.s32 v7, v10  }
0x43: {  	v34 =	vperm.xlane v11, v1;
	vm15 =	vgt.f32 v8, v9;
	vm6 =	vmand vm13, vm7  }
0x44: {  	vm7 =	vgt.f32 v14, v32;
	vm13 =	vlt.s32 v33, v18;
	vm6 =	vmor vm15, vm6  }
0x45: {  	v26 =	vld [tilespmem:s16+$0xFFFFFFC0];
	vm5 =	vmxor vm6, vm1;
	vm6 =	vmand vm14, vm12;
	vm14 =	vgt.f32 v11, v34  }
0x46: {  	v35 =	vsel vm5, v8, v9;
	v8 =	vsel vm5, v7, v10;
	vm5 =	veq.f32 v11, v34  }
0x47: {  	v7 =	vpop (erf);
	vm6 =	vmor vm7, vm6;
	v20 =	vperm.xlane v35, v2;
	v9 =	vperm.xlane v8, v2  }
0x48: {  	v49 =	vld [tilespmem:s16+$0x10];
	v21 =	vperm.xlane v7, v2;
	vm5 =	vmand vm5, vm13;
	vm6 =	vmxor vm6, vm1  }
0x49: {  	v27 =	vld [tilespmem:s16+$0x0];
	vm5 =	vmor vm14, vm5;
	v16 =	vsel vm6, v14, v32;
	v12 =	vsel vm6, v15, v19  }
0x4a: {  	v32 =	vperm.xlane v26, v0;
	vm15 =	veq.f32 v35, v20;
	vm10 =	vlt.s32 v8, v9  }
0x4b: {  	vm12 =	vgt.f32 v35, v20;
	vm5 =	vmxor vm5, vm1;
	v21 =	vadd.f32 v7, v21  }
0x4c: {  	v39 =	vperm.xlane v16, v2;
	v14 =	vperm.xlane v12, v2;
	vm8 =	vmand vm15, vm10  }
0x4d: {  	v13 =	vsel vm5, v11, v34;
	v10 =	vsel vm5, v33, v18;
	v33 =	vperm.xlane v49, v0  }
0x4e: {  	vm10 =	veq.f32 v22, v40;
	v34 =	vperm.xlane v27, v0;
	v36 =	vperm.xlane v13, v2  }
0x4f: {  	v55 =	vld [tilespmem:s15+$0x10];
	vm8 =	vmor vm12, vm8;
	v11 =	vperm.xlane v10, v2;
	v23 =	vperm.xlane v21, v1  }
0x50: {  	vm9 =	vlt.s32 v12, v14;
	vm12 =	vgt.f32 v22, v40;
	vm10 =	vmand vm10, vm11  }
0x51: {  	vm5 =	vmxor vm8, vm2;
	vm8 =	veq.f32 v16, v39;
	vm12 =	vmor vm12, vm10  }
0x52: {  	vm10 =	vlt.s32 v26, v32;
	vm11 =	vlt.s32 v27, v34;
	v37 =	vsel vm5, v35, v20  }
0x53: {  	vm13 =	veq.f32 v13, v36;
	vm14 =	vlt.s32 v10, v11;
	vm15 =	vgt.f32 v13, v36  }
0x54: {  	v41 =	vadd.f32 v21, v23;
	vm8 =	vmand vm8, vm9;
	v35 =	vperm.xlane v55, v0  }
0x55: {  	vm9 =	veq.f32 v46, v31;
	v17 =	vperm.xlane v37, v3;
	vm7 =	vmand vm13, vm14  }
0x56: {  	vm13 =	vmxor vm12, vm0;
	vm9 =	vmand vm9, vm10;
	vm10 =	vlt.s32 v49, v33  }
0x57: {  	vm7 =	vmor vm15, vm7;
	v42 =	vsel vm13, v22, v40;
	v43 =	vsel vm13, v38, v24  }
0x58: {  	v17 =	vsub.f32 v37, v17;
	vm6 =	vmxor vm7, vm2;
	vm7 =	vgt.f32 v16, v39  }
0x59: {  	v44 =	vperm.xlane v42, v1;
	v45 =	vperm.xlane v43, v1;
	v13 =	vsel vm6, v13, v36  }
0x5a: {  	vm7 =	vmor vm7, vm8;
	v17 =	vmul.f32 $1.442695020e+00, v17;
	v18 =	vperm.xlane v13, v3  }
0x5b: {  	vm7 =	vmxor vm7, vm2;
	vm14 =	veq.f32 v42, v44;
	vm15 =	vlt.s32 v43, v45  }
0x5c: {  	vm12 =	vgt.f32 v42, v44;
	v15 =	vsel vm7, v16, v39;
	vm8 =	vmand vm14, vm15  }
0x5d: {  	(erf) = vpow2.f32 v17;
	v13 =	vsub.f32 v13, v18;
	v16 =	vperm.xlane v15, v3  }
0x5e: {  	vm8 =	vmor vm12, vm8;
	vm12 =	veq.f32 v47, v30;
	(erf) = vrcp.f32 v41  }
0x5f: {  	vm8 =	vmxor vm8, vm1;
	vm11 =	vmand vm12, vm11;
	vm12 =	veq.f32 v55, v35  }
0x60: {  	v13 =	vmul.f32 $1.442695020e+00, v13;
	v15 =	vsub.f32 v15, v16;
	v25 =	vsel vm8, v42, v44  }
0x61: {  	v51 =	vsel vm8, v43, v45;
	vm10 =	vmand vm12, vm10;
	vm12 =	vgt.f32 v46, v31  }
0x62: {  	v52 =	vperm.xlane v25, v2;
	v54 =	vperm.xlane v51, v2;
	vm9 =	vmor vm12, vm9  }
0x63: {  	vm12 =	vgt.f32 v47, v30;
	(erf) = vpow2.f32 v13;
	v50 =	vmul.f32 $1.442695020e+00, v15  }
0x64: {  	vm11 =	vmor vm12, vm11;
	vm12 =	vgt.f32 v55, v35;
	vm9 =	vmxor vm9, vm0  }
0x65: {  	vm13 =	veq.f32 v25, v52;
	vm14 =	vgt.f32 v25, v52;
	vm15 =	vlt.s32 v51, v54  }
0x66: {  	vm10 =	vmor vm12, vm10;
	vm11 =	vmxor vm11, vm0;
	v20 =	vsel vm9, v46, v31  }
0x67: {  	v26 =	vsel vm9, v26, v32;
	(erf) = vpow2.f32 v50;
	vm8 =	vmand vm13, vm15  }
0x68: {  	vm10 =	vmxor vm10, vm0;
	v21 =	vsel vm11, v47, v30;
	v27 =	vsel vm11, v27, v34  }
0x69: {  	v59 =	vperm.xlane v26, v1;
	v61 =	vperm.xlane v20, v1;
	vm8 =	vmor vm14, vm8  }
0x6a: {  	v24 =	vsel vm10, v55, v35;
	v23 =	vsel vm10, v49, v33;
	v60 =	vperm.xlane v21, v1  }
0x6b: {  	v34 =	vperm.xlane v27, v1;
	v62 =	vperm.xlane v24, v1;
	vm9 =	vlt.s32 v26, v59  }
0x6c: {  	v63 =	vperm.xlane v23, v1;
	vm12 =	veq.f32 v20, v61;
	vm11 =	veq.f32 v21, v60  }
0x6d: {  	v16 =	vpop (erf);
	vm9 =	vmand vm12, vm9;
	vm10 =	vlt.s32 v27, v34;
	vm12 =	vgt.f32 v20, v61  }
0x6e: {  	v48 =	vperm.xlane v16, v2;
	vm10 =	vmand vm11, vm10;
	vm11 =	vgt.f32 v21, v60  }
0x6f: {  	vm9 =	vmor vm12, vm9;
	vm12 =	vlt.s32 v23, v63;
	vm13 =	veq.f32 v24, v62  }
0x70: {  	vm8 =	vmxor vm8, vm2;
	vm10 =	vmor vm11, vm10;
	vm11 =	vmand vm13, vm12  }
0x71: {  	vm9 =	vmxor vm9, vm1;
	vm12 =	vgt.f32 v24, v62;
	v22 =	vadd.f32 v16, v48  }
0x72: {  	vm10 =	vmxor vm10, vm1;
	v20 =	vsel vm9, v20, v61;
	v26 =	vsel vm9, v26, v59  }
0x73: {  	v13 =	vpop (erf);
	vm14 =	vmor vm12, vm11;
	v21 =	vsel vm10, v21, v60;
	v38 =	vperm.xlane v20, v2  }
0x74: {  	v53 =	vpop (erf);
	v27 =	vsel vm10, v27, v34;
	v40 =	vperm.xlane v26, v2;
	v28 =	vperm.xlane v22, v1  }
0x75: {  	vm9 =	vmxor vm14, vm1;
	v29 =	vperm.xlane v53, v2;
	v37 =	vperm.xlane v27, v2  }
0x76: {  	v39 =	vperm.xlane v21, v2;
	v24 =	vsel vm9, v24, v62;
	v23 =	vsel vm9, v23, v63  }
0x77: {  	v33 =	vperm.xlane v24, v2;
	v35 =	vperm.xlane v23, v2;
	vm11 =	veq.f32 v20, v38  }
0x78: {  	v57 =	vpop (erf);
	vm12 =	vlt.s32 v26, v40;
	v22 =	vadd.f32 v22, v28;
	v56 =	vadd.f32 v53, v29  }
0x79: {  	v58 =	vperm.xlane v57, v2;
	vm10 =	vlt.s32 v27, v37;
	vm15 =	veq.f32 v21, v39  }
0x7a: {  	vm11 =	vmand vm11, vm12;
	vm9 =	vmand vm15, vm10;
	vm10 =	vgt.f32 v21, v39  }
0x7b: {  	vm12 =	vlt.s32 v23, v35;
	(erf) = vrcp.f32 v22;
	v36 =	vperm.xlane v56, v1  }
0x7c: {  	v29 =	vadd.f32 v57, v58;
	vm9 =	vmor vm10, vm9;
	vm10 =	veq.f32 v24, v33  }
0x7d: {  	vm10 =	vmand vm10, vm12;
	vm12 =	vgt.f32 v20, v38;
	vm9 =	vmxor vm9, vm2  }
0x7e: {  	vm11 =	vmor vm12, vm11;
	v21 =	vsel vm9, v21, v39;
	vm12 =	vgt.f32 v24, v33  }
0x7f: {  	v41 =	vperm.xlane v29, v1;
	vm11 =	vmxor vm11, vm2;
	v42 =	vperm.xlane v21, v3  }
0x80: {  	v28 =	vadd.f32 v56, v36;
	vm10 =	vmor vm12, vm10;
	v20 =	vsel vm11, v20, v38  }
0x81: {  	vm10 =	vmxor vm10, vm2;
	v29 =	vadd.f32 v29, v41;
	v21 =	vsub.f32 v21, v42  }
0x82: {  	(erf) = vrcp.f32 v28;
	v24 =	vsel vm10, v24, v33;
	v43 =	vperm.xlane v20, v3  }
0x83: {  	v19 =	vsel vm8, v25, v52;
	v44 =	vperm.xlane v24, v3;
	v21 =	vmul.f32 $1.442695020e+00, v21  }
0x84: {  	v45 =	vperm.xlane v19, v3;
	(erf) = vrcp.f32 v29;
	v20 =	vsub.f32 v20, v43  }
0x85: {  	v24 =	vsub.f32 v24, v44;
	(erf) = vpow2.f32 v21  }
0x86: {  	v19 =	vsub.f32 v19, v45;
	v20 =	vmul.f32 $1.442695020e+00, v20  }
0x87: {  	v46 =	vmul.f32 $1.442695020e+00, v24  }
0x88: {  	v19 =	vmul.f32 $1.442695020e+00, v19;
	(erf) = vpow2.f32 v20  }
0x89: {  	v5 =	vsel vm4, v5, v6;
	v6 =	vsel vm5, v8, v9;
	(erf) = vpow2.f32 v46  }
0x8a: {  	v6 =	vperm.xlane v6, v4;
	v47 =	vpop (erf);
	(erf) = vpow2.f32 v19  }
0x8b: {  	v8 =	vsel vm6, v10, v11  }
0x8c: {  	v8 =	vperm.xlane v8, v4;
	v11 =	vsel vm7, v12, v14;
	v9 =	vpop (erf)  }
0x8d: {  	v5 =	vperm.xlane v5, v4;
	v14 =	vperm.xlane v11, v4;
	v48 =	vpop (erf)  }
0x8e: {  	v49 =	vsel vm3, v8, v6;
	v15 =	vsel vm8, v51, v54;
	v50 =	vsel vm11, v26, v40;
	v6 =	vpop (erf)  }
0x8f: {  	v8 =	vsel vm9, v27, v37;
	v18 =	vperm.xlane v50, v4;
	v11 =	vperm.xlane v6, v2  }
0x90: {  	v15 =	vperm.xlane v15, v4  }
0x91: {  	s19 =	simm.s32 $0x0;
	v51 =	vperm.xlane v8, v4;
	v5 =	vsel vm3, v18, v5;
	v17 =	vmul.f32 v9, v53;
	v9 =	vpop (erf)  }
0x92: {  	[tilespmem:s19+$0x5000] =	vst v5;
	v5 =	vmul.f32 v13, v7;
	v52 =	vperm.xlane v9, v2;
	v8 =	vpop (erf)  }
0x93: {  	v16 =	vmul.f32 v47, v16;
	v54 =	vadd.f32 v6, v11;
	v55 =	vperm.xlane v8, v2;
	v11 =	vpop (erf)  }
0x94: {  	v53 =	vsel vm10, v23, v35;
	v20 =	vadd.f32 v9, v52;
	v56 =	vperm.xlane v11, v2  }
0x95: {  	v12 =	vmul.f32 v48, v57;
	v57 =	vperm.xlane v54, v1;
	v23 =	vadd.f32 v8, v55  }
0x96: {  	v7 =	vsel vm3, v14, v15;
	v58 =	vperm.xlane v20, v1;
	v24 =	vadd.f32 v11, v56  }
0x97: {  	v10 =	vperm.xlane v16, v4;
	v22 =	vadd.f32 v54, v57;
	v59 =	vperm.xlane v23, v1  }
0x98: {  	v21 =	vperm.xlane v53, v4;
	v18 =	vadd.f32 v20, v58;
	v61 =	vperm.xlane v24, v1  }
0x99: {  	[tilespmem:s19+$0x5030] =	vst v49;
	v17 =	vperm.xlane v17, v4;
	(erf) = vrcp.f32 v22;
	v62 =	vadd.f32 v23, v59  }
0x9a: {  	[tilespmem:s19+$0x5010] =	vst v7;
	v60 =	vsel vm3, v51, v21;
	(erf) = vrcp.f32 v18;
	v63 =	vadd.f32 v24, v61  }
0x9b: {  	[tilespmem:s19+$0x5020] =	vst v60;
	v10 =	vsel vm3, v17, v10;
	(erf) = vrcp.f32 v62  }
0x9c: {  	s17 =	simm.s32 $0x100;
	[tilespmem:s19+$0x4030] =	vst v10;
	v10 =	vperm.xlane v12, v4;
	(erf) = vrcp.f32 v63  }
.LBB2_2:
0x9d: {  	_ =	sdelay $0x3  }
0x9e: {  	p0 =	sne.s32 s17, $0x3F00;
	s16 =	sadd.s32 $0x80, s16;
	s15 =	sadd.s32 $0x80, s15  }
0x9f: {  	s18 =	smov.u32 s17;
	s17 =	sadd.s32 $0x100, s17;
	v7 =	vpop (erf)  }
0xa0: {  	v6 =	vmul.f32 v7, v6;
	v7 =	vpop (erf)  }
0xa1: {  	v12 =	vpop (erf)  }
0xa2: {  	v7 =	vmul.f32 v7, v9;
	v6 =	vperm.xlane v6, v4;
	v9 =	vpop (erf)  }
0xa3: {  	v8 =	vmul.f32 v12, v8;
	v9 =	vmul.f32 v9, v11  }
0xa4: {  	v5 =	vperm.xlane v5, v4;
	v7 =	vperm.xlane v7, v4  }
0xa5: {  	v8 =	vperm.xlane v8, v4;
	v9 =	vperm.xlane v9, v4  }
0xa6: {  	v5 =	vsel vm3, v7, v5  }
0xa7: {  	v6 =	vsel vm3, v6, v8;
	[tilespmem:s19+$0x4000] =	vst v5;
	v5 =	vsel vm3, v10, v9  }
0xa8: {  	[tilespmem:s19+$0x4010] =	vst v5  }
0xa9: {  	[tilespmem:s19+$0x4020] =	vst v6  }
0xaa: {  	v5 =	vld [tilespmem:s15+$0xFFFFFFD0]  }
0xab: {  	v6 =	vld [tilespmem:s16+$0xFFFFFFD0];
	_ =	sdelay $0x3  }
0xac: {  	v7 =	vperm.xlane v5, v0  }
0xad: {  	v8 =	vperm.xlane v6, v0  }
0xae: {  	vm4 =	vgt.f32 v5, v7;
	vm5 =	veq.f32 v5, v7  }
0xaf: {  	vm6 =	vlt.s32 v6, v8  }
0xb0: {  	vm5 =	vmand vm5, vm6  }
0xb1: {  	vm4 =	vmor vm4, vm5  }
0xb2: {  	vm4 =	vmxor vm4, vm0  }
0xb3: {  	v5 =	vsel vm4, v5, v7;
	v6 =	vsel vm4, v6, v8  }
0xb4: {  	v7 =	vperm.xlane v5, v1;
	v8 =	vperm.xlane v6, v1;
	_ =	sdelay $0x1  }
0xb5: {  	vm4 =	vgt.f32 v5, v7;
	vm5 =	veq.f32 v5, v7;
	vm6 =	vlt.s32 v6, v8  }
0xb6: {  	vm5 =	vmand vm5, vm6  }
0xb7: {  	vm4 =	vmor vm4, vm5  }
0xb8: {  	vm4 =	vmxor vm4, vm1  }
0xb9: {  	v5 =	vsel vm4, v5, v7;
	v6 =	vsel vm4, v6, v8  }
0xba: {  	v7 =	vperm.xlane v5, v2;
	v8 =	vperm.xlane v6, v2;
	_ =	sdelay $0x1  }
0xbb: {  	vm4 =	vgt.f32 v5, v7;
	vm5 =	veq.f32 v5, v7;
	vm6 =	vlt.s32 v6, v8  }
0xbc: {  	vm5 =	vmand vm5, vm6  }
0xbd: {  	vm4 =	vmor vm4, vm5  }
0xbe: {  	vm4 =	vmxor vm4, vm2  }
0xbf: {  	v5 =	vsel vm4, v5, v7;
	v6 =	vsel vm4, v6, v8  }
0xc0: {  	v7 =	vperm.xlane v5, v3;
	_ =	sdelay $0x1  }
0xc1: {  	v5 =	vsub.f32 v5, v7;
	v7 =	vld [tilespmem:s16+$0xFFFFFFE0]  }
0xc2: {  	v8 =	vld [tilespmem:s15+$0xFFFFFFE0]  }
0xc3: {  	v5 =	vmul.f32 $1.442695020e+00, v5;
	v9 =	vld [tilespmem:s16+$0x20]  }
0xc4: {  	v10 =	vld [tilespmem:s16+$0x30]  }
0xc5: {  	v11 =	vld [tilespmem:s15+$0x30];
	(erf) = vpow2.f32 v5  }
0xc6: {  	v12 =	vld [tilespmem:s15+$0x20]  }
0xc7: {  	v14 =	vperm.xlane v7, v0;
	v13 =	vperm.xlane v8, v0;
	_ =	sdelay $0x1  }
0xc8: {  	vm4 =	vgt.f32 v8, v13;
	vm5 =	veq.f32 v8, v13;
	v15 =	vperm.xlane v10, v0  }
0xc9: {  	vm6 =	vlt.s32 v7, v14;
	v16 =	vperm.xlane v11, v0  }
0xca: {  	vm5 =	vmand vm5, vm6;
	v17 =	vperm.xlane v12, v0;
	vm6 =	vlt.s32 v10, v15  }
0xcb: {  	v18 =	vperm.xlane v9, v0;
	vm7 =	vgt.f32 v11, v16;
	vm8 =	veq.f32 v11, v16  }
0xcc: {  	vm4 =	vmor vm4, vm5;
	vm5 =	veq.f32 v12, v17;
	vm6 =	vmand vm8, vm6  }
0xcd: {  	vm4 =	vmxor vm4, vm0;
	vm8 =	vlt.s32 v9, v18;
	vm6 =	vmor vm7, vm6;
	v5 =	vpop (erf)  }
0xce: {  	v8 =	vsel vm4, v8, v13;
	vm5 =	vmand vm5, vm8;
	vm6 =	vmxor vm6, vm0  }
0xcf: {  	vm7 =	vgt.f32 v12, v17;
	v11 =	vsel vm6, v11, v16;
	v10 =	vsel vm6, v10, v15  }
0xd0: {  	v7 =	vsel vm4, v7, v14;
	v13 =	vperm.xlane v11, v1;
	v14 =	vperm.xlane v10, v1  }
0xd1: {  	vm4 =	vmor vm7, vm5;
	v15 =	vperm.xlane v8, v1;
	v16 =	vperm.xlane v7, v1  }
0xd2: {  	vm4 =	vmxor vm4, vm0;
	vm5 =	veq.f32 v11, v13;
	vm6 =	vlt.s32 v10, v14  }
0xd3: {  	vm7 =	veq.f32 v8, v15;
	vm8 =	vgt.f32 v11, v13;
	vm5 =	vmand vm5, vm6  }
0xd4: {  	v12 =	vsel vm4, v12, v17;
	vm6 =	vgt.f32 v8, v15;
	vm5 =	vmor vm8, vm5  }
0xd5: {  	v9 =	vsel vm4, v9, v18;
	v17 =	vperm.xlane v12, v1;
	vm4 =	vmxor vm5, vm1  }
0xd6: {  	vm5 =	vlt.s32 v7, v16;
	v11 =	vsel vm4, v11, v13;
	v10 =	vsel vm4, v10, v14  }
0xd7: {  	vm4 =	veq.f32 v12, v17;
	v13 =	vperm.xlane v11, v2;
	v14 =	vperm.xlane v10, v2  }
0xd8: {  	v18 =	vperm.xlane v9, v1;
	vm5 =	vmand vm7, vm5;
	vm7 =	vgt.f32 v12, v17  }
0xd9: {  	v19 =	vperm.xlane v5, v2;
	vm8 =	veq.f32 v11, v13;
	vm9 =	vlt.s32 v10, v14  }
0xda: {  	vm10 =	vlt.s32 v9, v18;
	vm11 =	vgt.f32 v11, v13;
	vm8 =	vmand vm8, vm9  }
0xdb: {  	vm5 =	vmor vm6, vm5;
	vm4 =	vmand vm4, vm10;
	vm6 =	vmor vm11, vm8  }
0xdc: {  	v19 =	vadd.f32 v5, v19;
	vm4 =	vmor vm7, vm4;
	vm6 =	vmxor vm6, vm2  }
0xdd: {  	vm4 =	vmxor vm4, vm1;
	v13 =	vsel vm6, v11, v13  }
0xde: {  	vm5 =	vmxor vm5, vm1;
	v12 =	vsel vm4, v12, v17;
	v17 =	vperm.xlane v13, v3  }
0xdf: {  	v9 =	vsel vm4, v9, v18;
	v18 =	vperm.xlane v12, v2;
	v11 =	vsel vm6, v10, v14  }
0xe0: {  	v10 =	vperm.xlane v19, v1;
	v14 =	vperm.xlane v9, v2;
	v13 =	vsub.f32 v13, v17  }
0xe1: {  	v8 =	vsel vm5, v8, v15;
	v7 =	vsel vm5, v7, v16;
	vm4 =	veq.f32 v12, v18  }
0xe2: {  	v15 =	vperm.xlane v8, v2;
	vm5 =	vlt.s32 v9, v14;
	v13 =	vmul.f32 $1.442695020e+00, v13  }
0xe3: {  	v16 =	vperm.xlane v7, v2;
	vm6 =	vgt.f32 v12, v18;
	vm4 =	vmand vm4, vm5  }
0xe4: {  	vm5 =	vgt.f32 v8, v15;
	vm4 =	vmor vm6, vm4;
	(erf) = vpow2.f32 v13  }
0xe5: {  	vm7 =	vlt.s32 v7, v16;
	vm6 =	veq.f32 v8, v15;
	vm4 =	vmxor vm4, vm2  }
0xe6: {  	vm6 =	vmand vm6, vm7;
	v12 =	vsel vm4, v12, v18;
	v9 =	vsel vm4, v9, v14  }
0xe7: {  	v10 =	vadd.f32 v19, v10;
	vm4 =	vmor vm5, vm6;
	v13 =	vperm.xlane v12, v3  }
0xe8: {  	vm4 =	vmxor vm4, vm2  }
0xe9: {  	v8 =	vsel vm4, v8, v15;
	v14 =	vsel vm4, v7, v16;
	v12 =	vsub.f32 v12, v13;
	v7 =	vld [tilespmem:s16+$0xFFFFFFF0]  }
0xea: {  	v13 =	vperm.xlane v8, v3;
	v15 =	vld [tilespmem:s15+$0xFFFFFFF0];
	(erf) = vrcp.f32 v10  }
0xeb: {  	v10 =	vmul.f32 $1.442695020e+00, v12  }
0xec: {  	v8 =	vsub.f32 v8, v13  }
0xed: {  	(erf) = vpow2.f32 v10;
	v12 =	vpop (erf)  }
0xee: {  	v8 =	vmul.f32 $1.442695020e+00, v8;
	v10 =	vperm.xlane v12, v2  }
0xef: {  	v16 =	vperm.xlane v7, v0;
	v13 =	vperm.xlane v15, v0  }
0xf0: {  	v10 =	vadd.f32 v12, v10;
	(erf) = vpow2.f32 v8  }
0xf1: {  	vm6 =	vlt.s32 v7, v16;
	vm4 =	vgt.f32 v15, v13;
	vm5 =	veq.f32 v15, v13  }
0xf2: {  	vm5 =	vmand vm5, vm6;
	v8 =	vperm.xlane v10, v1  }
0xf3: {  	vm4 =	vmor vm4, vm5;
	v17 =	vpop (erf)  }
0xf4: {  	v5 =	vmul.f32 v17, v5;
	vm4 =	vmxor vm4, vm0;
	v8 =	vadd.f32 v10, v8  }
0xf5: {  	v13 =	vsel vm4, v15, v13;
	v7 =	vsel vm4, v7, v16  }
0xf6: {  	v15 =	vperm.xlane v13, v1;
	v16 =	vpop (erf);
	(erf) = vrcp.f32 v8  }
0xf7: {  	v8 =	vperm.xlane v7, v1;
	v18 =	vperm.xlane v16, v2  }
0xf8: {  	vm4 =	vgt.f32 v13, v15;
	vm5 =	veq.f32 v13, v15  }
0xf9: {  	vm6 =	vlt.s32 v7, v8;
	v17 =	vadd.f32 v16, v18;
	v10 =	vpop (erf)  }
0xfa: {  	vm5 =	vmand vm5, vm6;
	v18 =	vperm.xlane v10, v2  }
0xfb: {  	vm4 =	vmor vm4, vm5;
	v19 =	vperm.xlane v17, v1  }
0xfc: {  	vm4 =	vmxor vm4, vm1;
	v18 =	vadd.f32 v10, v18  }
0xfd: {  	v13 =	vsel vm4, v13, v15;
	v15 =	vsel vm4, v7, v8;
	v20 =	vadd.f32 v17, v19  }
0xfe: {  	v17 =	vperm.xlane v13, v2;
	v8 =	vperm.xlane v18, v1  }
0xff: {  	v19 =	vperm.xlane v15, v2;
	(erf) = vrcp.f32 v20;
	v7 =	vpop (erf)  }
0x100: {  	vm4 =	veq.f32 v13, v17;
	v20 =	vld [tilespmem:s15+$0xFFFFFFC0];
	v8 =	vadd.f32 v18, v8;
	v7 =	vmul.f32 v7, v12  }
0x101: {  	vm5 =	vgt.f32 v13, v17;
	vm6 =	vlt.s32 v15, v19;
	v18 =	vld [tilespmem:s15+$0x0]  }
0x102: {  	vm4 =	vmand vm4, vm6;
	v21 =	vld [tilespmem:s16+$0x10];
	v7 =	vperm.xlane v7, v4;
	(erf) = vrcp.f32 v8  }
0x103: {  	vm4 =	vmor vm5, vm4;
	v8 =	vperm.xlane v6, v4;
	v22 =	vld [tilespmem:s15+$0x10]  }
0x104: {  	v12 =	vperm.xlane v9, v4;
	v6 =	vperm.xlane v14, v4;
	vm4 =	vmxor vm4, vm2;
	v14 =	vld [tilespmem:s16+$0x0]  }
0x105: {  	v25 =	vperm.xlane v11, v4;
	v13 =	vsel vm4, v13, v17;
	v9 =	vsel vm4, v15, v19;
	v23 =	vld [tilespmem:s16+$0xFFFFFFC0]  }
0x106: {  	v15 =	vperm.xlane v13, v3;
	v17 =	vperm.xlane v18, v0  }
0x107: {  	s19 =	sshra.s32 s18, $0x2;
	v12 =	vsel vm3, v12, v25;
	v19 =	vperm.xlane v20, v0;
	v24 =	vperm.xlane v21, v0  }
0x108: {  	v27 =	vsub.f32 v13, v15;
	vm4 =	vgt.f32 v18, v17;
	v15 =	vperm.xlane v22, v0;
	[tilespmem:s19+$0x5030] =	vst v12;
	v11 =	vpop (erf)  }
0x109: {  	vm5 =	vgt.f32 v20, v19;
	v25 =	vperm.xlane v14, v0;
	vm6 =	vlt.s32 v21, v24  }
0x10a: {  	vm7 =	veq.f32 v20, v19;
	v12 =	vmul.f32 v11, v16;
	v26 =	vperm.xlane v23, v0  }
0x10b: {  	v11 =	vmul.f32 $1.442695020e+00, v27;
	vm9 =	veq.f32 v22, v15;
	vm8 =	vlt.s32 v14, v25;
	v13 =	vpop (erf)  }
0x10c: {  	vm11 =	veq.f32 v18, v17;
	vm12 =	vgt.f32 v22, v15;
	vm10 =	vlt.s32 v23, v26  }
0x10d: {  	vm6 =	vmand vm9, vm6;
	vm8 =	vmand vm11, vm8;
	vm7 =	vmand vm7, vm10  }
0x10e: {  	vm6 =	vmor vm12, vm6;
	vm4 =	vmor vm4, vm8;
	vm5 =	vmor vm5, vm7  }
0x10f: {  	vm6 =	vmxor vm6, vm0;
	vm4 =	vmxor vm4, vm0;
	vm5 =	vmxor vm5, vm0  }
0x110: {  	v17 =	vsel vm4, v18, v17;
	v16 =	vsel vm5, v20, v19;
	v19 =	vsel vm5, v23, v26  }
0x111: {  	v15 =	vsel vm6, v22, v15;
	v14 =	vsel vm4, v14, v25;
	v18 =	vsel vm6, v21, v24  }
0x112: {  	v21 =	vperm.xlane v17, v1;
	v20 =	vperm.xlane v19, v1  }
0x113: {  	v23 =	vperm.xlane v15, v1;
	v22 =	vperm.xlane v16, v1  }
0x114: {  	v24 =	vperm.xlane v14, v1;
	v25 =	vperm.xlane v18, v1;
	vm4 =	vlt.s32 v19, v20  }
0x115: {  	vm6 =	vgt.f32 v17, v21;
	vm7 =	veq.f32 v17, v21;
	vm5 =	veq.f32 v16, v22  }
0x116: {  	vm8 =	vlt.s32 v18, v25;
	vm4 =	vmand vm5, vm4;
	vm5 =	vlt.s32 v14, v24  }
0x117: {  	vm9 =	vgt.f32 v16, v22;
	vm5 =	vmand vm7, vm5;
	vm7 =	veq.f32 v15, v23  }
0x118: {  	vm4 =	vmor vm9, vm4;
	vm5 =	vmor vm6, vm5;
	vm6 =	vmand vm7, vm8  }
0x119: {  	vm4 =	vmxor vm4, vm1;
	vm7 =	vgt.f32 v15, v23;
	vm5 =	vmxor vm5, vm1  }
0x11a: {  	v16 =	vsel vm4, v16, v22;
	v17 =	vsel vm5, v17, v21;
	v14 =	vsel vm5, v14, v24  }
0x11b: {  	v19 =	vsel vm4, v19, v20;
	vm4 =	vmor vm7, vm6;
	v20 =	vperm.xlane v16, v2  }
0x11c: {  	v10 =	vmul.f32 v13, v10;
	vm4 =	vmxor vm4, vm1;
	v13 =	vperm.xlane v14, v2  }
0x11d: {  	v21 =	vperm.xlane v19, v2;
	v22 =	vperm.xlane v17, v2;
	vm5 =	veq.f32 v16, v20  }
0x11e: {  	v15 =	vsel vm4, v15, v23;
	v18 =	vsel vm4, v18, v25;
	vm6 =	vlt.s32 v14, v13  }
0x11f: {  	v23 =	vperm.xlane v15, v2;
	v24 =	vperm.xlane v18, v2;
	vm4 =	veq.f32 v17, v22  }
0x120: {  	v10 =	vperm.xlane v10, v4;
	vm7 =	vgt.f32 v16, v20;
	vm4 =	vmand vm4, vm6  }
0x121: {  	vm6 =	vgt.f32 v17, v22;
	vm8 =	vgt.f32 v15, v23;
	vm9 =	veq.f32 v15, v23  }
0x122: {  	vm10 =	vlt.s32 v19, v21;
	vm4 =	vmor vm6, vm4;
	vm6 =	vlt.s32 v18, v24  }
0x123: {  	vm5 =	vmand vm5, vm10;
	vm4 =	vmxor vm4, vm2;
	vm6 =	vmand vm9, vm6  }
0x124: {  	vm5 =	vmor vm7, vm5;
	v17 =	vsel vm4, v17, v22;
	vm6 =	vmor vm8, vm6  }
0x125: {  	vm5 =	vmxor vm5, vm2;
	v22 =	vperm.xlane v17, v3;
	vm6 =	vmxor vm6, vm2  }
0x126: {  	v16 =	vsel vm5, v16, v20;
	v13 =	vsel vm4, v14, v13;
	v14 =	vsel vm6, v15, v23  }
0x127: {  	v15 =	vsel vm5, v19, v21;
	v19 =	vperm.xlane v16, v3;
	v20 =	vperm.xlane v14, v3  }
0x128: {  	v13 =	vperm.xlane v13, v4;
	v18 =	vsel vm6, v18, v24;
	v17 =	vsub.f32 v17, v22  }
0x129: {  	v15 =	vperm.xlane v15, v4;
	v16 =	vsub.f32 v16, v19;
	v14 =	vsub.f32 v14, v20  }
0x12a: {  	v18 =	vperm.xlane v18, v4;
	v17 =	vmul.f32 $1.442695020e+00, v17  }
0x12b: {  	v8 =	vsel vm3, v15, v8;
	v16 =	vmul.f32 $1.442695020e+00, v16;
	v14 =	vmul.f32 $1.442695020e+00, v14  }
0x12c: {  	v12 =	vperm.xlane v12, v4;
	[tilespmem:s19+$0x5000] =	vst v8;
	v8 =	vsel vm3, v13, v18;
	(erf) = vpow2.f32 v17  }
0x12d: {  	v9 =	vperm.xlane v9, v4;
	[tilespmem:s19+$0x5020] =	vst v8;
	(erf) = vpow2.f32 v16  }
0x12e: {  	v7 =	vsel vm3, v12, v7;
	(erf) = vpow2.f32 v14  }
0x12f: {  	v6 =	vsel vm3, v6, v9;
	[tilespmem:s19+$0x4030] =	vst v7;
	(erf) = vpow2.f32 v11  }
0x130: {  	[tilespmem:s19+$0x5010] =	vst v6;
	_ =	sdelay $0x4  }
0x131: {  	v6 =	vpop (erf)  }
0x132: {  	v7 =	vperm.xlane v6, v2;
	v9 =	vpop (erf)  }
0x133: {  	v12 =	vperm.xlane v9, v2;
	v8 =	vpop (erf)  }
0x134: {  	v7 =	vadd.f32 v6, v7;
	v13 =	vperm.xlane v8, v2;
	v11 =	vpop (erf)  }
0x135: {  	v12 =	vadd.f32 v9, v12;
	v14 =	vperm.xlane v11, v2  }
0x136: {  	v15 =	vperm.xlane v7, v1;
	v13 =	vadd.f32 v8, v13  }
0x137: {  	v16 =	vperm.xlane v12, v1;
	v14 =	vadd.f32 v11, v14  }
0x138: {  	v7 =	vadd.f32 v7, v15;
	v15 =	vperm.xlane v13, v1  }
.Ltmp0:
0x139: {  	v12 =	vadd.f32 v12, v16;
	v16 =	vperm.xlane v14, v1;
	(pc) =	sbr.rel @p0 .LBB2_2-.Ltmp0, $4  }
0x13a: {  	v13 =	vadd.f32 v13, v15;
	(erf) = vrcp.f32 v7  }
0x13b: {  	v7 =	vadd.f32 v14, v16;
	(erf) = vrcp.f32 v12  }
0x13c: {  	(erf) = vrcp.f32 v13  }
0x13d: {  	(erf) = vrcp.f32 v7  }
0x13e: {  	_ =	sdelay $0x4  }
0x13f: {  	v7 =	vpop (erf)  }
0x140: {  	v12 =	vpop (erf)  }
0x141: {  	v6 =	vmul.f32 v7, v6;
	v13 =	vpop (erf);
	v7 =	vmul.f32 v12, v9  }
0x142: {  	v5 =	vperm.xlane v5, v4;
	v63 =	vpop (erf);
	v8 =	vmul.f32 v13, v8  }
0x143: {  	v9 =	vmul.f32 v63, v11;
	v7 =	vperm.xlane v7, v4  }
0x144: {  	v6 =	vperm.xlane v6, v4;
	v8 =	vperm.xlane v8, v4  }
0x145: {  	v9 =	vperm.xlane v9, v4;
	v5 =	vsel vm3, v7, v5  }
0x146: {  	[tilespmem:s19+$0x4000] =	vst v5;
	v6 =	vsel vm3, v6, v8  }
0x147: {  	v5 =	vsel vm3, v10, v9;
	[tilespmem:s19+$0x4020] =	vst v6  }
0x148: {  	[tilespmem:s19+$0x4010] =	vst v5  }
0x149: {  	[hbm4b:s5+s8] =	stream.strided.scatter [tilespmem:s12], [sflag:$0x1], $0x1000, s9, s8, $0x38;
	[tilespmem:$0x6000] =	vst v63  }
0x14a: {  	s14 =	sadd.s32 $0x1, s14;
	_ =	swait.ge [sflag:s10], $0x1000  }
0x14b: {  	p0 =	sne.s32 s14, s7;
	[sflag:s10] =	ssyncset.done $0x0  }
.Ltmp1:
0x14c: {  	[sflag:s10] =	ssyncadd.s32 $0xFFFFF000;
	(pc) =	sbr.rel @p0 .LBB2_1-.Ltmp1, $4  }
0x14d: {  	[hbm4b:s6+s8] =	stream.strided.scatter [tilespmem:s13], [sflag:$0x1], $0x1000, s9, s8, $0x38;
	[tilespmem:$0x6000] =	vst v63  }
0x14e: {  	_ =	swait.ge [sflag:s10], $0x1000  }
0x14f: {  	[sflag:s10] =	ssyncset.done $0x0  }
0x150: {  	[sflag:s10] =	ssyncadd.s32 $0xFFFFF000  }
0x151: {  	_ =	sfence.sel $0x180000  }
0x152: {  	[bflag:$0x0] =	sbarrier.arrive $0xFFFF  }
0x153: {  	p0 =	sne.s32 s2, $0x0;
	_ =	strace $0x90000047  }
0x154: {  	s0 =	sadd.s32 @!p0 $0x100000, s0;
	[bflag:$0x2] =	sbarrier.arrive $0xFFFF  }
0x155: {  	[sflag:s0] =	ssyncadd.tile.s32 @!p0 $0x1;
	_ =	shalt  }
.Lfunc_end2:
_tile_overlayer_lowered:
.L_overlay_start_2:
0x156: {  	(tag) =	ssettag $0x2  }
0x157: {  	s0 =	rddreg [dreg:$0x0];
	s2 =	stileid.u32  }
0x158: {  	s1 =	rddreg [dreg:$0x1];
	p0 =	sne.s32 s2, $0x0  }
0x159: {  	s3 =	rddreg [dreg:$0x2];
	[bflag:$0x3] =	sbarrier.arrive $0xFFFF;
	s2 =	simm.s32 @!p0 $0x1C01  }
0x15a: {  	[timem:s3], [sflag:s2] =	dma.local @!p0 [hbm:s0], s1  }
0x15b: {  	s0 =	simm.s32 @!p0 $0x1  }
0x15c: {  	_ =	swait.ge @!p0 [sflag:s0], s1  }
0x15d: {  	s1 =	ssub.s32 @!p0 $0x0, s1;
	[sflag:s0] =	ssyncset.done @!p0 $0x0  }
0x15e: {  	[sflag:s0] =	ssyncadd.s32 @!p0 s1  }
0x15f: {  	[bflag:$0x3] =	sbarrier.arrive $0xFFFF  }
0x160: {  	_ =	shalt  }

</sc_bundles>
